<compile_context>
chip_gen: v7x
topology: tpu7x:2x2x1
jax: 0.10.2.dev20260603
libtpu: 0.0.44.dev20260713+nightly
codegen_flags: <defaults>
</compile_context>

<pallas_src>
import functools

import jax
import jax.numpy as jnp
import numpy as np
from jax import lax
from jax.experimental import pallas as pl
from jax.experimental.pallas import tpu as pltpu
from jax.experimental.pallas import tpu_sc as plsc

_LANES = 16
_MAX_DIST = 10.0
_VALID_THRESH = float(np.float32(10.0 - 0.0001))


def _make_sc_kernel(B, L, K, n_workers):
    rows_per_w = (B * L) // n_workers
    w_per_b = n_workers // B
    CH = 256
    n_chunks = rows_per_w // CH
    n_blocks = CH // _LANES
    ht_chunks = L // _LANES

    mesh = plsc.VectorSubcoreMesh(core_axis_name="c", subcore_axis_name="s",
                                  num_cores=2, num_subcores=16)

    @functools.partial(
        pl.kernel,
        out_type=jax.ShapeDtypeStruct((B, L), jnp.float32),
        mesh=mesh,
        compiler_params=pltpu.CompilerParams(needs_layout_passes=False),
        scratch_types=[
            pltpu.VMEM((128,), jnp.float32),
            pltpu.VMEM((32,), jnp.float32),
            pltpu.VMEM((L,), jnp.int32),
            pltpu.VMEM((L,), jnp.float32),
            pltpu.VMEM((CH, K), jnp.int32),
            pltpu.VMEM((CH, K), jnp.float32),
            pltpu.VMEM((CH,), jnp.float32),
        ],
    )
    def sc_kernel(seq_hbm, r_hbm, j_hbm, h_hbm, par_hbm, out_hbm,
                  h_v, par_v, seq_v, hf_v, j_v, r_v, o_v):
        nc = mesh.num_cores
        wid = lax.axis_index("s") * nc + lax.axis_index("c")
        b = wid // w_per_b
        half = wid % w_per_b

        pltpu.sync_copy(h_hbm, h_v)
        pltpu.sync_copy(par_hbm, par_v)
        pltpu.sync_copy(seq_hbm.at[b], seq_v)

        def build(i, carry):
            sv = seq_v[pl.ds(i * _LANES, _LANES)]
            hf_v[pl.ds(i * _LANES, _LANES)] = plsc.load_gather(h_v, [sv])
            return carry
        lax.fori_loop(0, ht_chunks, build, 0)

        iota = lax.iota(jnp.int32, _LANES)
        peak = par_v[pl.ds(0, _LANES)]
        inv2s2 = par_v[pl.ds(_LANES, _LANES)]

        for c in range(n_chunks):
            lo = half * rows_per_w + c * CH
            pltpu.sync_copy(j_hbm.at[b, pl.ds(lo, CH)], j_v)
            pltpu.sync_copy(r_hbm.at[b, pl.ds(lo, CH)], r_v)

            def rowblock(rb, carry):
                rows = iota + rb * _LANES

                def kstep(k, acc):
                    kv = jnp.full((_LANES,), k, jnp.int32)
                    jv = plsc.load_gather(j_v, [rows, kv])
                    rv = plsc.load_gather(r_v, [rows, kv])
                    jv = jnp.clip(jv, 0, L - 1)
                    hv = plsc.load_gather(hf_v, [jv])
                    d = jnp.minimum(rv, _MAX_DIST) - peak
                    g = jnp.exp(-(d * d) * inv2s2)
                    g = jnp.where(rv < _VALID_THRESH, g, 0.0)
                    return acc + hv * g

                acc = lax.fori_loop(0, K, kstep,
                                    jnp.zeros((_LANES,), jnp.float32))
                hi = plsc.load_gather(hf_v, [rows + lo])
                o_v[pl.ds(rb * _LANES, _LANES)] = hi * acc
                return carry
            lax.fori_loop(0, n_blocks, rowblock, 0)
            pltpu.sync_copy(o_v, out_hbm.at[b, pl.ds(lo, CH)])

    return sc_kernel


def kernel(seq, r, j_idx, h, r_half_raw, tau_hp_raw):
    B, L, K = r.shape
    r_peak = jax.nn.softplus(r_half_raw).astype(jnp.float32)
    sigma = (jax.nn.softplus(tau_hp_raw) + 0.1).astype(jnp.float32)
    inv2s2 = 1.0 / (2.0 * sigma * sigma)
    par = jnp.concatenate([
        jnp.full((_LANES,), r_peak, jnp.float32),
        jnp.full((_LANES,), inv2s2, jnp.float32),
    ])
    h_pad = jnp.pad(h.astype(jnp.float32), (0, 128 - h.shape[0]))
    sc = _make_sc_kernel(B, L, K, 32)
    return sc(seq.astype(jnp.int32), r, j_idx.astype(jnp.int32), h_pad, par)

# --- scband reference (transcript-rebuilt; emitter-appended) ---
"""Pipeline reference for scband-hydrophobic-pairs-58256936403302 (READ-ONLY COPY).

The authoritative reference and input builder live on the scoring server;
editing this copy changes nothing except your own understanding.
"""

import jax, jax.numpy as jnp
import numpy as np

H_SVD_MEDIUM_20 = np.array([+0.3279, +1.0, -0.9373, -0.8584, +0.6153, -0.5127, -0.3207, +0.8355,
                            -0.7528, +0.6792, +0.5284, -0.8558, -0.4101, -0.7967, -0.6088, -0.5275,
                            -0.2591, +0.894, +0.0663, +0.1645], dtype=np.float32)

def _inv_softplus(y, eps=1e-08):
    y = float(max(y, eps))
    return float(np.log(np.expm1(y)))

def setup_inputs(seed: int = 0) -> dict:
    key = jax.random.key(seed)
    k1, k2, k3 = jax.random.split(key, 3)
    B, L, K = 16, 4096, 64
    seq = jax.random.randint(k1, (B, L), 0, 20)
    r = jax.random.uniform(k2, (B, L, K), minval=0.0, maxval=15.0, dtype=jnp.float32)
    j_idx = jax.random.randint(k3, (B, L, K), 0, L)
    h = jnp.asarray(H_SVD_MEDIUM_20)
    r_half_raw = jnp.asarray(_inv_softplus(6.5), dtype=jnp.float32)
    tau_hp_raw = jnp.asarray(_inv_softplus(1.5), dtype=jnp.float32)
    return {"seq": seq, "r": r, "j_idx": j_idx, "h": h,
            "r_half_raw": r_half_raw, "tau_hp_raw": tau_hp_raw}

def reference(seq, r, j_idx, h, r_half_raw, tau_hp_raw):
    max_dist = 10.0
    B, L, K = r.shape
    valid = (r < max_dist - 0.0001).astype(jnp.float32)
    h_i = h[seq]                                   # [B, L] gather from 20-entry table
    j_safe = jnp.clip(j_idx, 0, L - 1)
    seq_j = jnp.take_along_axis(seq, j_safe.reshape(B, -1), axis=1).reshape(B, L, K)
    h_j = h[seq_j]                                 # [B, L, K] gather
    r_clamped = jnp.minimum(r, max_dist)
    r_peak = jax.nn.softplus(r_half_raw)
    sigma_hp = jax.nn.softplus(tau_hp_raw) + 0.1
    g = jnp.exp(-(r_clamped - r_peak) ** 2 / (2.0 * sigma_hp ** 2))
    g = g * valid
    pair_energy = h_i[..., None] * h_j * g
    E_hp_i = pair_energy.sum(axis=-1)              # [B, L]
    return E_hp_i

if __name__ == "__main__":
    import jax
    _d = setup_inputs()
    print(jax.jit(kernel)(*tuple(_d.values())))

</pallas_src>

<mosaic_0001>
#map = affine_map<(d0, d1) -> (0, 0)>
#map1 = affine_map<(d0, d1) -> (0, 0, 0)>
#map2 = affine_map<(d0, d1) -> (0)>
module attributes {stable_mosaic.version = 14 : i64} {
  func.func @sc_kernel(%arg0: i32, %arg1: i32, %arg2: memref<16x4096xi32, #tpu.memory_space<hbm>>, %arg3: memref<16x4096x64xf32, #tpu.memory_space<hbm>>, %arg4: memref<16x4096x64xi32, #tpu.memory_space<hbm>>, %arg5: memref<128xf32, #tpu.memory_space<hbm>>, %arg6: memref<32xf32, #tpu.memory_space<hbm>>, %arg7: memref<16x4096xf32, #tpu.memory_space<hbm>>, %arg8: memref<128xf32, #tpu.memory_space<vmem>>, %arg9: memref<32xf32, #tpu.memory_space<vmem>>, %arg10: memref<4096xi32, #tpu.memory_space<vmem>>, %arg11: memref<4096xf32, #tpu.memory_space<vmem>>, %arg12: memref<256x64xi32, #tpu.memory_space<vmem>>, %arg13: memref<256x64xf32, #tpu.memory_space<vmem>>, %arg14: memref<256xf32, #tpu.memory_space<vmem>>) attributes {dimension_semantics = [#tpu.dimension_semantics<core_parallel>, #tpu.dimension_semantics<subcore_parallel>], iteration_bounds = array<i64: 2, 16>, scalar_prefetch = 0 : i64, scratch_operands = 7 : i64, tpu.core_type = #tpu.core_type<sc_vector_subcore>, window_params = [{transform_indices = #map}, {transform_indices = #map1}, {transform_indices = #map1}, {transform_indices = #map2}, {transform_indices = #map2}, {transform_indices = #map}]} {
    %mul3A = arith.constant 2 : i32
    %mul3A_0 = arith.muli %arg1, %mul3A : i32
    %add3A = arith.addi %mul3A_0, %arg0 : i32
    %jit3A = arith.constant 2 : i32
    %div3A = arith.divsi %add3A, %jit3A : i32
    %sign3A = arith.constant 0 : i32
    %sign3A_1 = arith.cmpi sgt, %add3A, %sign3A : i32
    %sign3A_2 = arith.extui %sign3A_1 : i1 to i32
    %sign3A_3 = arith.constant 0 : i32
    %sign3A_4 = arith.cmpi slt, %add3A, %sign3A_3 : i32
    %sign3A_5 = arith.extui %sign3A_4 : i1 to i32
    %sign3A_6 = arith.subi %sign3A_2, %sign3A_5 : i32
    %sign3A_7 = arith.constant 0 : i32
    %sign3A_8 = arith.cmpi sgt, %jit3A, %sign3A_7 : i32
    %sign3A_9 = arith.extui %sign3A_8 : i1 to i32
    %sign3A_10 = arith.constant 0 : i32
    %sign3A_11 = arith.cmpi slt, %jit3A, %sign3A_10 : i32
    %sign3A_12 = arith.extui %sign3A_11 : i1 to i32
    %sign3A_13 = arith.subi %sign3A_9, %sign3A_12 : i32
    %ne3A = arith.cmpi ne, %sign3A_6, %sign3A_13 : i32
    %rem3A = arith.remsi %add3A, %jit3A : i32
    %ne3A_14 = arith.constant 0 : i32
    %ne3A_15 = arith.cmpi ne, %rem3A, %ne3A_14 : i32
    %and3A = arith.andi %ne3A, %ne3A_15 : i1
    %sub3A = arith.constant 1 : i32
    %sub3A_16 = arith.subi %div3A, %sub3A : i32
    %select_n3A = arith.select %and3A, %sub3A_16, %div3A : i32
    %jit3A_17 = arith.constant 2 : i32
    %eq3A = arith.constant 0 : i32
    %eq3A_18 = arith.cmpi eq, %jit3A_17, %eq3A : i32
    %jit3A_19 = arith.constant 1 : i32
    %select_n3A_20 = arith.select %eq3A_18, %jit3A_19, %jit3A_17 : i32
    %rem3A_21 = arith.remsi %add3A, %select_n3A_20 : i32
    %ne3A_22 = arith.constant 0 : i32
    %ne3A_23 = arith.cmpi ne, %rem3A_21, %ne3A_22 : i32
    %lt3A = arith.constant 0 : i32
    %lt3A_24 = arith.cmpi slt, %rem3A_21, %lt3A : i32
    %lt3A_25 = arith.constant 0 : i32
    %lt3A_26 = arith.cmpi slt, %select_n3A_20, %lt3A_25 : i32
    %ne3A_27 = arith.xori %lt3A_24, %lt3A_26 : i1
    %and3A_28 = arith.andi %ne3A_27, %ne3A_23 : i1
    %add3A_29 = arith.addi %rem3A_21, %select_n3A_20 : i32
    %select_n3A_30 = arith.select %and3A_28, %add3A_29, %rem3A_21 : i32
    "tpu.region"() ({
      %run_scoped3A = tpu.sem_alloc : memref<!tpu.dma_semaphore, #tpu.memory_space<semaphore_mem>>
      tpu.enqueue_dma source(%arg5 : memref<128xf32, #tpu.memory_space<hbm>>) target(%arg8 : memref<128xf32, #tpu.memory_space<vmem>>) target_semaphore(%run_scoped3A : memref<!tpu.dma_semaphore, #tpu.memory_space<semaphore_mem>>)
      tpu.wait_dma2 semaphore(%run_scoped3A : memref<!tpu.dma_semaphore, #tpu.memory_space<semaphore_mem>>) src(%arg5 : memref<128xf32, #tpu.memory_space<hbm>>) dst(%arg8 : memref<128xf32, #tpu.memory_space<vmem>>)
      tpu.yield
    }) : () -> ()
    "tpu.region"() ({
      %run_scoped3A = tpu.sem_alloc : memref<!tpu.dma_semaphore, #tpu.memory_space<semaphore_mem>>
      tpu.enqueue_dma source(%arg6 : memref<32xf32, #tpu.memory_space<hbm>>) target(%arg9 : memref<32xf32, #tpu.memory_space<vmem>>) target_semaphore(%run_scoped3A : memref<!tpu.dma_semaphore, #tpu.memory_space<semaphore_mem>>)
      tpu.wait_dma2 semaphore(%run_scoped3A : memref<!tpu.dma_semaphore, #tpu.memory_space<semaphore_mem>>) src(%arg6 : memref<32xf32, #tpu.memory_space<hbm>>) dst(%arg9 : memref<32xf32, #tpu.memory_space<vmem>>)
      tpu.yield
    }) : () -> ()
    "tpu.region"() ({
      %run_scoped3A = tpu.sem_alloc : memref<!tpu.dma_semaphore, #tpu.memory_space<semaphore_mem>>
      %dma_start3A = arith.constant 0 : i32
      %dma_start3A_119 = tpu.memref_slice %arg2[%select_n3A, %dma_start3A] : memref<16x4096xi32, #tpu.memory_space<hbm>> -> memref<1x4096xi32, #tpu.memory_space<hbm>>
      %dma_start3A_120 = tpu.memref_squeeze %dma_start3A_119 : memref<1x4096xi32, #tpu.memory_space<hbm>> -> memref<4096xi32, #tpu.memory_space<hbm>>
      %dma_start3A_121 = arith.constant 0 : i32
      %dma_start3A_122 = tpu.memref_slice %arg2[%select_n3A, %dma_start3A_121] : memref<16x4096xi32, #tpu.memory_space<hbm>> -> memref<1x4096xi32, #tpu.memory_space<hbm>>
      %dma_start3A_123 = tpu.memref_squeeze %dma_start3A_122 : memref<1x4096xi32, #tpu.memory_space<hbm>> -> memref<4096xi32, #tpu.memory_space<hbm>>
      tpu.enqueue_dma source(%dma_start3A_123 : memref<4096xi32, #tpu.memory_space<hbm>>) target(%arg10 : memref<4096xi32, #tpu.memory_space<vmem>>) target_semaphore(%run_scoped3A : memref<!tpu.dma_semaphore, #tpu.memory_space<semaphore_mem>>)
      %dma_wait3A = arith.constant 0 : i32
      %dma_wait3A_124 = tpu.memref_slice %arg2[%select_n3A, %dma_wait3A] : memref<16x4096xi32, #tpu.memory_space<hbm>> -> memref<1x4096xi32, #tpu.memory_space<hbm>>
      %dma_wait3A_125 = tpu.memref_squeeze %dma_wait3A_124 : memref<1x4096xi32, #tpu.memory_space<hbm>> -> memref<4096xi32, #tpu.memory_space<hbm>>
      %dma_wait3A_126 = arith.constant 0 : i32
      %dma_wait3A_127 = tpu.memref_slice %arg2[%select_n3A, %dma_wait3A_126] : memref<16x4096xi32, #tpu.memory_space<hbm>> -> memref<1x4096xi32, #tpu.memory_space<hbm>>
      %dma_wait3A_128 = tpu.memref_squeeze %dma_wait3A_127 : memref<1x4096xi32, #tpu.memory_space<hbm>> -> memref<4096xi32, #tpu.memory_space<hbm>>
      tpu.wait_dma2 semaphore(%run_scoped3A : memref<!tpu.dma_semaphore, #tpu.memory_space<semaphore_mem>>) src(%dma_wait3A_128 : memref<4096xi32, #tpu.memory_space<hbm>>) dst(%arg10 : memref<4096xi32, #tpu.memory_space<vmem>>)
      tpu.yield
    }) : () -> ()
    %scan3A = arith.constant 0 : i32
    %scan3A_31 = arith.constant 0 : i32
    %scan3A_32 = arith.constant 256 : i32
    %scan3A_33 = arith.addi %scan3A_31, %scan3A_32 : i32
    %scan3A_34 = arith.constant 1 : i32
    scf.for %scan3A_119 = %scan3A_31 to %scan3A_33 step %scan3A_34  : i32 {
      %mul3A_120 = arith.constant 16 : i32
      %mul3A_121 = arith.muli %scan3A_119, %mul3A_120 : i32
      %get3A_122 = arith.index_cast %mul3A_121 : i32 to index
      %get3A_123 = tpu.vector_load %arg10[%get3A_122] {strides = array<i32>} : memref<4096xi32, #tpu.memory_space<vmem>>, vector<16xi32>,
      %gather3A = tpu.vector_load_idx %arg8[%get3A_123] : memref<128xf32, #tpu.memory_space<vmem>>[vector<16xi32>], vector<16xf32>,
      %mul3A_124 = arith.constant 16 : i32
      %mul3A_125 = arith.muli %scan3A_119, %mul3A_124 : i32
      %swap3A = arith.index_cast %mul3A_125 : i32 to index
      %swap3A_126 = tpu.vector_load %arg11[%swap3A] {strides = array<i32>} : memref<4096xf32, #tpu.memory_space<vmem>>, vector<16xf32>,
      tpu.vector_store %arg11[%swap3A], %gather3A {strides = array<i32>} : memref<4096xf32, #tpu.memory_space<vmem>>, vector<16xf32>,
    }
    %scan3A_35 = arith.constant 256 : i32
    %iota3A = tpu.iota {dimensions = array<i32: 0>} : vector<16xi32>
    %get3A = arith.constant 0 : index
    %get3A_36 = tpu.vector_load %arg9[%get3A] {strides = array<i32>} : memref<32xf32, #tpu.memory_space<vmem>>, vector<16xf32>,
    %get3A_37 = arith.constant 16 : index
    %get3A_38 = tpu.vector_load %arg9[%get3A_37] {strides = array<i32>} : memref<32xf32, #tpu.memory_space<vmem>>, vector<16xf32>,
    %mul3A_39 = arith.constant 2048 : i32
    %mul3A_40 = arith.muli %select_n3A_30, %mul3A_39 : i32
    %add3A_41 = arith.constant 0 : i32
    %add3A_42 = arith.addi %mul3A_40, %add3A_41 : i32
    "tpu.region"() ({
      %run_scoped3A = tpu.sem_alloc : memref<!tpu.dma_semaphore, #tpu.memory_space<semaphore_mem>>
      %dma_start3A = arith.constant 0 : i32
      %dma_start3A_119 = tpu.memref_slice %arg4[%select_n3A, %add3A_42, %dma_start3A] : memref<16x4096x64xi32, #tpu.memory_space<hbm>> -> memref<1x256x64xi32, #tpu.memory_space<hbm>>
      %dma_start3A_120 = tpu.memref_squeeze %dma_start3A_119 : memref<1x256x64xi32, #tpu.memory_space<hbm>> -> memref<256x64xi32, #tpu.memory_space<hbm>>
      %dma_start3A_121 = arith.constant 0 : i32
      %dma_start3A_122 = tpu.memref_slice %arg4[%select_n3A, %add3A_42, %dma_start3A_121] : memref<16x4096x64xi32, #tpu.memory_space<hbm>> -> memref<1x256x64xi32, #tpu.memory_space<hbm>>
      %dma_start3A_123 = tpu.memref_squeeze %dma_start3A_122 : memref<1x256x64xi32, #tpu.memory_space<hbm>> -> memref<256x64xi32, #tpu.memory_space<hbm>>
      tpu.enqueue_dma source(%dma_start3A_123 : memref<256x64xi32, #tpu.memory_space<hbm>>) target(%arg12 : memref<256x64xi32, #tpu.memory_space<vmem>>) target_semaphore(%run_scoped3A : memref<!tpu.dma_semaphore, #tpu.memory_space<semaphore_mem>>)
      %dma_wait3A = arith.constant 0 : i32
      %dma_wait3A_124 = tpu.memref_slice %arg4[%select_n3A, %add3A_42, %dma_wait3A] : memref<16x4096x64xi32, #tpu.memory_space<hbm>> -> memref<1x256x64xi32, #tpu.memory_space<hbm>>
      %dma_wait3A_125 = tpu.memref_squeeze %dma_wait3A_124 : memref<1x256x64xi32, #tpu.memory_space<hbm>> -> memref<256x64xi32, #tpu.memory_space<hbm>>
      %dma_wait3A_126 = arith.constant 0 : i32
      %dma_wait3A_127 = tpu.memref_slice %arg4[%select_n3A, %add3A_42, %dma_wait3A_126] : memref<16x4096x64xi32, #tpu.memory_space<hbm>> -> memref<1x256x64xi32, #tpu.memory_space<hbm>>
      %dma_wait3A_128 = tpu.memref_squeeze %dma_wait3A_127 : memref<1x256x64xi32, #tpu.memory_space<hbm>> -> memref<256x64xi32, #tpu.memory_space<hbm>>
      tpu.wait_dma2 semaphore(%run_scoped3A : memref<!tpu.dma_semaphore, #tpu.memory_space<semaphore_mem>>) src(%dma_wait3A_128 : memref<256x64xi32, #tpu.memory_space<hbm>>) dst(%arg12 : memref<256x64xi32, #tpu.memory_space<vmem>>)
      tpu.yield
    }) : () -> ()
    "tpu.region"() ({
      %run_scoped3A = tpu.sem_alloc : memref<!tpu.dma_semaphore, #tpu.memory_space<semaphore_mem>>
      %dma_start3A = arith.constant 0 : i32
      %dma_start3A_119 = tpu.memref_slice %arg3[%select_n3A, %add3A_42, %dma_start3A] : memref<16x4096x64xf32, #tpu.memory_space<hbm>> -> memref<1x256x64xf32, #tpu.memory_space<hbm>>
      %dma_start3A_120 = tpu.memref_squeeze %dma_start3A_119 : memref<1x256x64xf32, #tpu.memory_space<hbm>> -> memref<256x64xf32, #tpu.memory_space<hbm>>
      %dma_start3A_121 = arith.constant 0 : i32
      %dma_start3A_122 = tpu.memref_slice %arg3[%select_n3A, %add3A_42, %dma_start3A_121] : memref<16x4096x64xf32, #tpu.memory_space<hbm>> -> memref<1x256x64xf32, #tpu.memory_space<hbm>>
      %dma_start3A_123 = tpu.memref_squeeze %dma_start3A_122 : memref<1x256x64xf32, #tpu.memory_space<hbm>> -> memref<256x64xf32, #tpu.memory_space<hbm>>
      tpu.enqueue_dma source(%dma_start3A_123 : memref<256x64xf32, #tpu.memory_space<hbm>>) target(%arg13 : memref<256x64xf32, #tpu.memory_space<vmem>>) target_semaphore(%run_scoped3A : memref<!tpu.dma_semaphore, #tpu.memory_space<semaphore_mem>>)
      %dma_wait3A = arith.constant 0 : i32
      %dma_wait3A_124 = tpu.memref_slice %arg3[%select_n3A, %add3A_42, %dma_wait3A] : memref<16x4096x64xf32, #tpu.memory_space<hbm>> -> memref<1x256x64xf32, #tpu.memory_space<hbm>>
      %dma_wait3A_125 = tpu.memref_squeeze %dma_wait3A_124 : memref<1x256x64xf32, #tpu.memory_space<hbm>> -> memref<256x64xf32, #tpu.memory_space<hbm>>
      %dma_wait3A_126 = arith.constant 0 : i32
      %dma_wait3A_127 = tpu.memref_slice %arg3[%select_n3A, %add3A_42, %dma_wait3A_126] : memref<16x4096x64xf32, #tpu.memory_space<hbm>> -> memref<1x256x64xf32, #tpu.memory_space<hbm>>
      %dma_wait3A_128 = tpu.memref_squeeze %dma_wait3A_127 : memref<1x256x64xf32, #tpu.memory_space<hbm>> -> memref<256x64xf32, #tpu.memory_space<hbm>>
      tpu.wait_dma2 semaphore(%run_scoped3A : memref<!tpu.dma_semaphore, #tpu.memory_space<semaphore_mem>>) src(%dma_wait3A_128 : memref<256x64xf32, #tpu.memory_space<hbm>>) dst(%arg13 : memref<256x64xf32, #tpu.memory_space<vmem>>)
      tpu.yield
    }) : () -> ()
    %scan3A_43 = arith.constant 0 : i32
    %scan3A_44 = arith.constant 0 : i32
    %scan3A_45 = arith.constant 16 : i32
    %scan3A_46 = arith.addi %scan3A_44, %scan3A_45 : i32
    %scan3A_47 = arith.constant 1 : i32
    scf.for %scan3A_119 = %scan3A_44 to %scan3A_46 step %scan3A_47  : i32 {
      %mul3A_120 = arith.constant 16 : i32
      %mul3A_121 = arith.muli %scan3A_119, %mul3A_120 : i32
      %add3A_122 = vector.broadcast %mul3A_121 : i32 to vector<16xi32>
      %add3A_123 = arith.addi %iota3A, %add3A_122 : vector<16xi32>
      %broadcast_in_dim3A = arith.constant 0.000000e+00 : f32
      %broadcast_in_dim3A_124 = vector.broadcast %broadcast_in_dim3A : f32 to vector<16xf32>
      %scan3A_125 = arith.constant 0 : i32
      %scan3A_126 = arith.constant 64 : i32
      %scan3A_127 = arith.addi %scan3A_125, %scan3A_126 : i32
      %scan3A_128 = arith.constant 1 : i32
      %scan3A_129 = scf.for %scan3A_137 = %scan3A_125 to %scan3A_127 step %scan3A_128 iter_args(%scan3A_138 = %broadcast_in_dim3A_124) -> (vector<16xf32>)  : i32 {
        %broadcast_in_dim3A_139 = vector.broadcast %scan3A_137 : i32 to vector<16xi32>
        %gather3A_140 = tpu.vector_load_idx %arg12[%add3A_123, %broadcast_in_dim3A_139] : memref<256x64xi32, #tpu.memory_space<vmem>>[vector<16xi32>, vector<16xi32>], vector<16xi32>,
        %gather3A_141 = tpu.vector_load_idx %arg13[%add3A_123, %broadcast_in_dim3A_139] : memref<256x64xf32, #tpu.memory_space<vmem>>[vector<16xi32>, vector<16xi32>], vector<16xf32>,
        %jit3A_142 = arith.constant 0 : i32
        %jit3A_143 = arith.constant 4095 : i32
        %max3A = vector.broadcast %jit3A_142 : i32 to vector<16xi32>
        %max3A_144 = arith.maxsi %max3A, %gather3A_140 : vector<16xi32>
        %min3A = vector.broadcast %jit3A_143 : i32 to vector<16xi32>
        %min3A_145 = arith.minsi %min3A, %max3A_144 : vector<16xi32>
        %gather3A_146 = tpu.vector_load_idx %arg11[%min3A_145] : memref<4096xf32, #tpu.memory_space<vmem>>[vector<16xi32>], vector<16xf32>,
        %min3A_147 = arith.constant 1.000000e+01 : f32
        %min3A_148 = vector.broadcast %min3A_147 : f32 to vector<16xf32>
        %min3A_149 = arith.minimumf %gather3A_141, %min3A_148 : vector<16xf32>
        %sub3A_150 = arith.subf %min3A_149, %get3A_36 : vector<16xf32>
        %mul3A_151 = arith.mulf %sub3A_150, %sub3A_150 : vector<16xf32>
        %neg3A = arith.constant 0.000000e+00 : f32
        %neg3A_152 = vector.broadcast %neg3A : f32 to vector<16xf32>
        %neg3A_153 = arith.subf %neg3A_152, %mul3A_151 : vector<16xf32>
        %mul3A_154 = arith.mulf %neg3A_153, %get3A_38 : vector<16xf32>
        %exp3A = math.exp %mul3A_154 : vector<16xf32>
        %lt3A_155 = arith.constant 9.99989986 : f32
        %lt3A_156 = vector.broadcast %lt3A_155 : f32 to vector<16xf32>
        %lt3A_157 = arith.cmpf olt, %gather3A_141, %lt3A_156 : vector<16xf32>
        %jit3A_158 = arith.constant 0.000000e+00 : f32
        %broadcast_in_dim3A_159 = vector.broadcast %jit3A_158 : f32 to vector<16xf32>
        %select_n3A_160 = arith.select %lt3A_157, %exp3A, %broadcast_in_dim3A_159 : vector<16xi1>, vector<16xf32>
        %mul3A_161 = arith.mulf %gather3A_146, %select_n3A_160 : vector<16xf32>
        %add3A_162 = arith.addf %scan3A_138, %mul3A_161 : vector<16xf32>
        scf.yield %add3A_162 : vector<16xf32>
      }
      %scan3A_130 = arith.constant 64 : i32
      %add3A_131 = vector.broadcast %add3A_42 : i32 to vector<16xi32>
      %add3A_132 = arith.addi %add3A_123, %add3A_131 : vector<16xi32>
      %gather3A = tpu.vector_load_idx %arg11[%add3A_132] : memref<4096xf32, #tpu.memory_space<vmem>>[vector<16xi32>], vector<16xf32>,
      %mul3A_133 = arith.mulf %gather3A, %scan3A_129 : vector<16xf32>
      %mul3A_134 = arith.constant 16 : i32
      %mul3A_135 = arith.muli %scan3A_119, %mul3A_134 : i32
      %swap3A = arith.index_cast %mul3A_135 : i32 to index
      %swap3A_136 = tpu.vector_load %arg14[%swap3A] {strides = array<i32>} : memref<256xf32, #tpu.memory_space<vmem>>, vector<16xf32>,
      tpu.vector_store %arg14[%swap3A], %mul3A_133 {strides = array<i32>} : memref<256xf32, #tpu.memory_space<vmem>>, vector<16xf32>,
    }
    %scan3A_48 = arith.constant 16 : i32
    "tpu.region"() ({
      %run_scoped3A = tpu.sem_alloc : memref<!tpu.dma_semaphore, #tpu.memory_space<semaphore_mem>>
      %dma_start3A = tpu.memref_slice %arg7[%select_n3A, %add3A_42] : memref<16x4096xf32, #tpu.memory_space<hbm>> -> memref<1x256xf32, #tpu.memory_space<hbm>>
      %dma_start3A_119 = tpu.memref_squeeze %dma_start3A : memref<1x256xf32, #tpu.memory_space<hbm>> -> memref<256xf32, #tpu.memory_space<hbm>>
      %dma_start3A_120 = tpu.memref_slice %arg7[%select_n3A, %add3A_42] : memref<16x4096xf32, #tpu.memory_space<hbm>> -> memref<1x256xf32, #tpu.memory_space<hbm>>
      %dma_start3A_121 = tpu.memref_squeeze %dma_start3A_120 : memref<1x256xf32, #tpu.memory_space<hbm>> -> memref<256xf32, #tpu.memory_space<hbm>>
      tpu.enqueue_dma source(%arg14 : memref<256xf32, #tpu.memory_space<vmem>>) target(%dma_start3A_121 : memref<256xf32, #tpu.memory_space<hbm>>) target_semaphore(%run_scoped3A : memref<!tpu.dma_semaphore, #tpu.memory_space<semaphore_mem>>)
      %dma_wait3A = tpu.memref_slice %arg7[%select_n3A, %add3A_42] : memref<16x4096xf32, #tpu.memory_space<hbm>> -> memref<1x256xf32, #tpu.memory_space<hbm>>
      %dma_wait3A_122 = tpu.memref_squeeze %dma_wait3A : memref<1x256xf32, #tpu.memory_space<hbm>> -> memref<256xf32, #tpu.memory_space<hbm>>
      %dma_wait3A_123 = tpu.memref_slice %arg7[%select_n3A, %add3A_42] : memref<16x4096xf32, #tpu.memory_space<hbm>> -> memref<1x256xf32, #tpu.memory_space<hbm>>
      %dma_wait3A_124 = tpu.memref_squeeze %dma_wait3A_123 : memref<1x256xf32, #tpu.memory_space<hbm>> -> memref<256xf32, #tpu.memory_space<hbm>>
      tpu.wait_dma2 semaphore(%run_scoped3A : memref<!tpu.dma_semaphore, #tpu.memory_space<semaphore_mem>>) src(%arg14 : memref<256xf32, #tpu.memory_space<vmem>>) dst(%dma_wait3A_124 : memref<256xf32, #tpu.memory_space<hbm>>)
      tpu.yield
    }) : () -> ()
    %mul3A_49 = arith.constant 2048 : i32
    %mul3A_50 = arith.muli %select_n3A_30, %mul3A_49 : i32
    %add3A_51 = arith.constant 256 : i32
    %add3A_52 = arith.addi %mul3A_50, %add3A_51 : i32
    "tpu.region"() ({
      %run_scoped3A = tpu.sem_alloc : memref<!tpu.dma_semaphore, #tpu.memory_space<semaphore_mem>>
      %dma_start3A = arith.constant 0 : i32
      %dma_start3A_119 = tpu.memref_slice %arg4[%select_n3A, %add3A_52, %dma_start3A] : memref<16x4096x64xi32, #tpu.memory_space<hbm>> -> memref<1x256x64xi32, #tpu.memory_space<hbm>>
      %dma_start3A_120 = tpu.memref_squeeze %dma_start3A_119 : memref<1x256x64xi32, #tpu.memory_space<hbm>> -> memref<256x64xi32, #tpu.memory_space<hbm>>
      %dma_start3A_121 = arith.constant 0 : i32
      %dma_start3A_122 = tpu.memref_slice %arg4[%select_n3A, %add3A_52, %dma_start3A_121] : memref<16x4096x64xi32, #tpu.memory_space<hbm>> -> memref<1x256x64xi32, #tpu.memory_space<hbm>>
      %dma_start3A_123 = tpu.memref_squeeze %dma_start3A_122 : memref<1x256x64xi32, #tpu.memory_space<hbm>> -> memref<256x64xi32, #tpu.memory_space<hbm>>
      tpu.enqueue_dma source(%dma_start3A_123 : memref<256x64xi32, #tpu.memory_space<hbm>>) target(%arg12 : memref<256x64xi32, #tpu.memory_space<vmem>>) target_semaphore(%run_scoped3A : memref<!tpu.dma_semaphore, #tpu.memory_space<semaphore_mem>>)
      %dma_wait3A = arith.constant 0 : i32
      %dma_wait3A_124 = tpu.memref_slice %arg4[%select_n3A, %add3A_52, %dma_wait3A] : memref<16x4096x64xi32, #tpu.memory_space<hbm>> -> memref<1x256x64xi32, #tpu.memory_space<hbm>>
      %dma_wait3A_125 = tpu.memref_squeeze %dma_wait3A_124 : memref<1x256x64xi32, #tpu.memory_space<hbm>> -> memref<256x64xi32, #tpu.memory_space<hbm>>
      %dma_wait3A_126 = arith.constant 0 : i32
      %dma_wait3A_127 = tpu.memref_slice %arg4[%select_n3A, %add3A_52, %dma_wait3A_126] : memref<16x4096x64xi32, #tpu.memory_space<hbm>> -> memref<1x256x64xi32, #tpu.memory_space<hbm>>
      %dma_wait3A_128 = tpu.memref_squeeze %dma_wait3A_127 : memref<1x256x64xi32, #tpu.memory_space<hbm>> -> memref<256x64xi32, #tpu.memory_space<hbm>>
      tpu.wait_dma2 semaphore(%run_scoped3A : memref<!tpu.dma_semaphore, #tpu.memory_space<semaphore_mem>>) src(%dma_wait3A_128 : memref<256x64xi32, #tpu.memory_space<hbm>>) dst(%arg12 : memref<256x64xi32, #tpu.memory_space<vmem>>)
      tpu.yield
    }) : () -> ()
    "tpu.region"() ({
      %run_scoped3A = tpu.sem_alloc : memref<!tpu.dma_semaphore, #tpu.memory_space<semaphore_mem>>
      %dma_start3A = arith.constant 0 : i32
      %dma_start3A_119 = tpu.memref_slice %arg3[%select_n3A, %add3A_52, %dma_start3A] : memref<16x4096x64xf32, #tpu.memory_space<hbm>> -> memref<1x256x64xf32, #tpu.memory_space<hbm>>
      %dma_start3A_120 = tpu.memref_squeeze %dma_start3A_119 : memref<1x256x64xf32, #tpu.memory_space<hbm>> -> memref<256x64xf32, #tpu.memory_space<hbm>>
      %dma_start3A_121 = arith.constant 0 : i32
      %dma_start3A_122 = tpu.memref_slice %arg3[%select_n3A, %add3A_52, %dma_start3A_121] : memref<16x4096x64xf32, #tpu.memory_space<hbm>> -> memref<1x256x64xf32, #tpu.memory_space<hbm>>
      %dma_start3A_123 = tpu.memref_squeeze %dma_start3A_122 : memref<1x256x64xf32, #tpu.memory_space<hbm>> -> memref<256x64xf32, #tpu.memory_space<hbm>>
      tpu.enqueue_dma source(%dma_start3A_123 : memref<256x64xf32, #tpu.memory_space<hbm>>) target(%arg13 : memref<256x64xf32, #tpu.memory_space<vmem>>) target_semaphore(%run_scoped3A : memref<!tpu.dma_semaphore, #tpu.memory_space<semaphore_mem>>)
      %dma_wait3A = arith.constant 0 : i32
      %dma_wait3A_124 = tpu.memref_slice %arg3[%select_n3A, %add3A_52, %dma_wait3A] : memref<16x4096x64xf32, #tpu.memory_space<hbm>> -> memref<1x256x64xf32, #tpu.memory_space<hbm>>
      %dma_wait3A_125 = tpu.memref_squeeze %dma_wait3A_124 : memref<1x256x64xf32, #tpu.memory_space<hbm>> -> memref<256x64xf32, #tpu.memory_space<hbm>>
      %dma_wait3A_126 = arith.constant 0 : i32
      %dma_wait3A_127 = tpu.memref_slice %arg3[%select_n3A, %add3A_52, %dma_wait3A_126] : memref<16x4096x64xf32, #tpu.memory_space<hbm>> -> memref<1x256x64xf32, #tpu.memory_space<hbm>>
      %dma_wait3A_128 = tpu.memref_squeeze %dma_wait3A_127 : memref<1x256x64xf32, #tpu.memory_space<hbm>> -> memref<256x64xf32, #tpu.memory_space<hbm>>
      tpu.wait_dma2 semaphore(%run_scoped3A : memref<!tpu.dma_semaphore, #tpu.memory_space<semaphore_mem>>) src(%dma_wait3A_128 : memref<256x64xf32, #tpu.memory_space<hbm>>) dst(%arg13 : memref<256x64xf32, #tpu.memory_space<vmem>>)
      tpu.yield
    }) : () -> ()
    %scan3A_53 = arith.constant 0 : i32
    %scan3A_54 = arith.constant 0 : i32
    %scan3A_55 = arith.constant 16 : i32
    %scan3A_56 = arith.addi %scan3A_54, %scan3A_55 : i32
    %scan3A_57 = arith.constant 1 : i32
    scf.for %scan3A_119 = %scan3A_54 to %scan3A_56 step %scan3A_57  : i32 {
      %mul3A_120 = arith.constant 16 : i32
      %mul3A_121 = arith.muli %scan3A_119, %mul3A_120 : i32
      %add3A_122 = vector.broadcast %mul3A_121 : i32 to vector<16xi32>
      %add3A_123 = arith.addi %iota3A, %add3A_122 : vector<16xi32>
      %broadcast_in_dim3A = arith.constant 0.000000e+00 : f32
      %broadcast_in_dim3A_124 = vector.broadcast %broadcast_in_dim3A : f32 to vector<16xf32>
      %scan3A_125 = arith.constant 0 : i32
      %scan3A_126 = arith.constant 64 : i32
      %scan3A_127 = arith.addi %scan3A_125, %scan3A_126 : i32
      %scan3A_128 = arith.constant 1 : i32
      %scan3A_129 = scf.for %scan3A_137 = %scan3A_125 to %scan3A_127 step %scan3A_128 iter_args(%scan3A_138 = %broadcast_in_dim3A_124) -> (vector<16xf32>)  : i32 {
        %broadcast_in_dim3A_139 = vector.broadcast %scan3A_137 : i32 to vector<16xi32>
        %gather3A_140 = tpu.vector_load_idx %arg12[%add3A_123, %broadcast_in_dim3A_139] : memref<256x64xi32, #tpu.memory_space<vmem>>[vector<16xi32>, vector<16xi32>], vector<16xi32>,
        %gather3A_141 = tpu.vector_load_idx %arg13[%add3A_123, %broadcast_in_dim3A_139] : memref<256x64xf32, #tpu.memory_space<vmem>>[vector<16xi32>, vector<16xi32>], vector<16xf32>,
        %jit3A_142 = arith.constant 0 : i32
        %jit3A_143 = arith.constant 4095 : i32
        %max3A = vector.broadcast %jit3A_142 : i32 to vector<16xi32>
        %max3A_144 = arith.maxsi %max3A, %gather3A_140 : vector<16xi32>
        %min3A = vector.broadcast %jit3A_143 : i32 to vector<16xi32>
        %min3A_145 = arith.minsi %min3A, %max3A_144 : vector<16xi32>
        %gather3A_146 = tpu.vector_load_idx %arg11[%min3A_145] : memref<4096xf32, #tpu.memory_space<vmem>>[vector<16xi32>], vector<16xf32>,
        %min3A_147 = arith.constant 1.000000e+01 : f32
        %min3A_148 = vector.broadcast %min3A_147 : f32 to vector<16xf32>
        %min3A_149 = arith.minimumf %gather3A_141, %min3A_148 : vector<16xf32>
        %sub3A_150 = arith.subf %min3A_149, %get3A_36 : vector<16xf32>
        %mul3A_151 = arith.mulf %sub3A_150, %sub3A_150 : vector<16xf32>
        %neg3A = arith.constant 0.000000e+00 : f32
        %neg3A_152 = vector.broadcast %neg3A : f32 to vector<16xf32>
        %neg3A_153 = arith.subf %neg3A_152, %mul3A_151 : vector<16xf32>
        %mul3A_154 = arith.mulf %neg3A_153, %get3A_38 : vector<16xf32>
        %exp3A = math.exp %mul3A_154 : vector<16xf32>
        %lt3A_155 = arith.constant 9.99989986 : f32
        %lt3A_156 = vector.broadcast %lt3A_155 : f32 to vector<16xf32>
        %lt3A_157 = arith.cmpf olt, %gather3A_141, %lt3A_156 : vector<16xf32>
        %jit3A_158 = arith.constant 0.000000e+00 : f32
        %broadcast_in_dim3A_159 = vector.broadcast %jit3A_158 : f32 to vector<16xf32>
        %select_n3A_160 = arith.select %lt3A_157, %exp3A, %broadcast_in_dim3A_159 : vector<16xi1>, vector<16xf32>
        %mul3A_161 = arith.mulf %gather3A_146, %select_n3A_160 : vector<16xf32>
        %add3A_162 = arith.addf %scan3A_138, %mul3A_161 : vector<16xf32>
        scf.yield %add3A_162 : vector<16xf32>
      }
      %scan3A_130 = arith.constant 64 : i32
      %add3A_131 = vector.broadcast %add3A_52 : i32 to vector<16xi32>
      %add3A_132 = arith.addi %add3A_123, %add3A_131 : vector<16xi32>
      %gather3A = tpu.vector_load_idx %arg11[%add3A_132] : memref<4096xf32, #tpu.memory_space<vmem>>[vector<16xi32>], vector<16xf32>,
      %mul3A_133 = arith.mulf %gather3A, %scan3A_129 : vector<16xf32>
      %mul3A_134 = arith.constant 16 : i32
      %mul3A_135 = arith.muli %scan3A_119, %mul3A_134 : i32
      %swap3A = arith.index_cast %mul3A_135 : i32 to index
      %swap3A_136 = tpu.vector_load %arg14[%swap3A] {strides = array<i32>} : memref<256xf32, #tpu.memory_space<vmem>>, vector<16xf32>,
      tpu.vector_store %arg14[%swap3A], %mul3A_133 {strides = array<i32>} : memref<256xf32, #tpu.memory_space<vmem>>, vector<16xf32>,
    }
    %scan3A_58 = arith.constant 16 : i32
    "tpu.region"() ({
      %run_scoped3A = tpu.sem_alloc : memref<!tpu.dma_semaphore, #tpu.memory_space<semaphore_mem>>
      %dma_start3A = tpu.memref_slice %arg7[%select_n3A, %add3A_52] : memref<16x4096xf32, #tpu.memory_space<hbm>> -> memref<1x256xf32, #tpu.memory_space<hbm>>
      %dma_start3A_119 = tpu.memref_squeeze %dma_start3A : memref<1x256xf32, #tpu.memory_space<hbm>> -> memref<256xf32, #tpu.memory_space<hbm>>
      %dma_start3A_120 = tpu.memref_slice %arg7[%select_n3A, %add3A_52] : memref<16x4096xf32, #tpu.memory_space<hbm>> -> memref<1x256xf32, #tpu.memory_space<hbm>>
      %dma_start3A_121 = tpu.memref_squeeze %dma_start3A_120 : memref<1x256xf32, #tpu.memory_space<hbm>> -> memref<256xf32, #tpu.memory_space<hbm>>
      tpu.enqueue_dma source(%arg14 : memref<256xf32, #tpu.memory_space<vmem>>) target(%dma_start3A_121 : memref<256xf32, #tpu.memory_space<hbm>>) target_semaphore(%run_scoped3A : memref<!tpu.dma_semaphore, #tpu.memory_space<semaphore_mem>>)
      %dma_wait3A = tpu.memref_slice %arg7[%select_n3A, %add3A_52] : memref<16x4096xf32, #tpu.memory_space<hbm>> -> memref<1x256xf32, #tpu.memory_space<hbm>>
      %dma_wait3A_122 = tpu.memref_squeeze %dma_wait3A : memref<1x256xf32, #tpu.memory_space<hbm>> -> memref<256xf32, #tpu.memory_space<hbm>>
      %dma_wait3A_123 = tpu.memref_slice %arg7[%select_n3A, %add3A_52] : memref<16x4096xf32, #tpu.memory_space<hbm>> -> memref<1x256xf32, #tpu.memory_space<hbm>>
      %dma_wait3A_124 = tpu.memref_squeeze %dma_wait3A_123 : memref<1x256xf32, #tpu.memory_space<hbm>> -> memref<256xf32, #tpu.memory_space<hbm>>
      tpu.wait_dma2 semaphore(%run_scoped3A : memref<!tpu.dma_semaphore, #tpu.memory_space<semaphore_mem>>) src(%arg14 : memref<256xf32, #tpu.memory_space<vmem>>) dst(%dma_wait3A_124 : memref<256xf32, #tpu.memory_space<hbm>>)
      tpu.yield
    }) : () -> ()
    %mul3A_59 = arith.constant 2048 : i32
    %mul3A_60 = arith.muli %select_n3A_30, %mul3A_59 : i32
    %add3A_61 = arith.constant 512 : i32
    %add3A_62 = arith.addi %mul3A_60, %add3A_61 : i32
    "tpu.region"() ({
      %run_scoped3A = tpu.sem_alloc : memref<!tpu.dma_semaphore, #tpu.memory_space<semaphore_mem>>
      %dma_start3A = arith.constant 0 : i32
      %dma_start3A_119 = tpu.memref_slice %arg4[%select_n3A, %add3A_62, %dma_start3A] : memref<16x4096x64xi32, #tpu.memory_space<hbm>> -> memref<1x256x64xi32, #tpu.memory_space<hbm>>
      %dma_start3A_120 = tpu.memref_squeeze %dma_start3A_119 : memref<1x256x64xi32, #tpu.memory_space<hbm>> -> memref<256x64xi32, #tpu.memory_space<hbm>>
      %dma_start3A_121 = arith.constant 0 : i32
      %dma_start3A_122 = tpu.memref_slice %arg4[%select_n3A, %add3A_62, %dma_start3A_121] : memref<16x4096x64xi32, #tpu.memory_space<hbm>> -> memref<1x256x64xi32, #tpu.memory_space<hbm>>
      %dma_start3A_123 = tpu.memref_squeeze %dma_start3A_122 : memref<1x256x64xi32, #tpu.memory_space<hbm>> -> memref<256x64xi32, #tpu.memory_space<hbm>>
      tpu.enqueue_dma source(%dma_start3A_123 : memref<256x64xi32, #tpu.memory_space<hbm>>) target(%arg12 : memref<256x64xi32, #tpu.memory_space<vmem>>) target_semaphore(%run_scoped3A : memref<!tpu.dma_semaphore, #tpu.memory_space<semaphore_mem>>)
      %dma_wait3A = arith.constant 0 : i32
      %dma_wait3A_124 = tpu.memref_slice %arg4[%select_n3A, %add3A_62, %dma_wait3A] : memref<16x4096x64xi32, #tpu.memory_space<hbm>> -> memref<1x256x64xi32, #tpu.memory_space<hbm>>
      %dma_wait3A_125 = tpu.memref_squeeze %dma_wait3A_124 : memref<1x256x64xi32, #tpu.memory_space<hbm>> -> memref<256x64xi32, #tpu.memory_space<hbm>>
      %dma_wait3A_126 = arith.constant 0 : i32
      %dma_wait3A_127 = tpu.memref_slice %arg4[%select_n3A, %add3A_62, %dma_wait3A_126] : memref<16x4096x64xi32, #tpu.memory_space<hbm>> -> memref<1x256x64xi32, #tpu.memory_space<hbm>>
      %dma_wait3A_128 = tpu.memref_squeeze %dma_wait3A_127 : memref<1x256x64xi32, #tpu.memory_space<hbm>> -> memref<256x64xi32, #tpu.memory_space<hbm>>
      tpu.wait_dma2 semaphore(%run_scoped3A : memref<!tpu.dma_semaphore, #tpu.memory_space<semaphore_mem>>) src(%dma_wait3A_128 : memref<256x64xi32, #tpu.memory_space<hbm>>) dst(%arg12 : memref<256x64xi32, #tpu.memory_space<vmem>>)
      tpu.yield
    }) : () -> ()
    "tpu.region"() ({
      %run_scoped3A = tpu.sem_alloc : memref<!tpu.dma_semaphore, #tpu.memory_space<semaphore_mem>>
      %dma_start3A = arith.constant 0 : i32
      %dma_start3A_119 = tpu.memref_slice %arg3[%select_n3A, %add3A_62, %dma_start3A] : memref<16x4096x64xf32, #tpu.memory_space<hbm>> -> memref<1x256x64xf32, #tpu.memory_space<hbm>>
      %dma_start3A_120 = tpu.memref_squeeze %dma_start3A_119 : memref<1x256x64xf32, #tpu.memory_space<hbm>> -> memref<256x64xf32, #tpu.memory_space<hbm>>
      %dma_start3A_121 = arith.constant 0 : i32
      %dma_start3A_122 = tpu.memref_slice %arg3[%select_n3A, %add3A_62, %dma_start3A_121] : memref<16x4096x64xf32, #tpu.memory_space<hbm>> -> memref<1x256x64xf32, #tpu.memory_space<hbm>>
      %dma_start3A_123 = tpu.memref_squeeze %dma_start3A_122 : memref<1x256x64xf32, #tpu.memory_space<hbm>> -> memref<256x64xf32, #tpu.memory_space<hbm>>
      tpu.enqueue_dma source(%dma_start3A_123 : memref<256x64xf32, #tpu.memory_space<hbm>>) target(%arg13 : memref<256x64xf32, #tpu.memory_space<vmem>>) target_semaphore(%run_scoped3A : memref<!tpu.dma_semaphore, #tpu.memory_space<semaphore_mem>>)
      %dma_wait3A = arith.constant 0 : i32
      %dma_wait3A_124 = tpu.memref_slice %arg3[%select_n3A, %add3A_62, %dma_wait3A] : memref<16x4096x64xf32, #tpu.memory_space<hbm>> -> memref<1x256x64xf32, #tpu.memory_space<hbm>>
      %dma_wait3A_125 = tpu.memref_squeeze %dma_wait3A_124 : memref<1x256x64xf32, #tpu.memory_space<hbm>> -> memref<256x64xf32, #tpu.memory_space<hbm>>
      %dma_wait3A_126 = arith.constant 0 : i32
      %dma_wait3A_127 = tpu.memref_slice %arg3[%select_n3A, %add3A_62, %dma_wait3A_126] : memref<16x4096x64xf32, #tpu.memory_space<hbm>> -> memref<1x256x64xf32, #tpu.memory_space<hbm>>
      %dma_wait3A_128 = tpu.memref_squeeze %dma_wait3A_127 : memref<1x256x64xf32, #tpu.memory_space<hbm>> -> memref<256x64xf32, #tpu.memory_space<hbm>>
      tpu.wait_dma2 semaphore(%run_scoped3A : memref<!tpu.dma_semaphore, #tpu.memory_space<semaphore_mem>>) src(%dma_wait3A_128 : memref<256x64xf32, #tpu.memory_space<hbm>>) dst(%arg13 : memref<256x64xf32, #tpu.memory_space<vmem>>)
      tpu.yield
    }) : () -> ()
    %scan3A_63 = arith.constant 0 : i32
    %scan3A_64 = arith.constant 0 : i32
    %scan3A_65 = arith.constant 16 : i32
    %scan3A_66 = arith.addi %scan3A_64, %scan3A_65 : i32
    %scan3A_67 = arith.constant 1 : i32
    scf.for %scan3A_119 = %scan3A_64 to %scan3A_66 step %scan3A_67  : i32 {
      %mul3A_120 = arith.constant 16 : i32
      %mul3A_121 = arith.muli %scan3A_119, %mul3A_120 : i32
      %add3A_122 = vector.broadcast %mul3A_121 : i32 to vector<16xi32>
      %add3A_123 = arith.addi %iota3A, %add3A_122 : vector<16xi32>
      %broadcast_in_dim3A = arith.constant 0.000000e+00 : f32
      %broadcast_in_dim3A_124 = vector.broadcast %broadcast_in_dim3A : f32 to vector<16xf32>
      %scan3A_125 = arith.constant 0 : i32
      %scan3A_126 = arith.constant 64 : i32
      %scan3A_127 = arith.addi %scan3A_125, %scan3A_126 : i32
      %scan3A_128 = arith.constant 1 : i32
      %scan3A_129 = scf.for %scan3A_137 = %scan3A_125 to %scan3A_127 step %scan3A_128 iter_args(%scan3A_138 = %broadcast_in_dim3A_124) -> (vector<16xf32>)  : i32 {
        %broadcast_in_dim3A_139 = vector.broadcast %scan3A_137 : i32 to vector<16xi32>
        %gather3A_140 = tpu.vector_load_idx %arg12[%add3A_123, %broadcast_in_dim3A_139] : memref<256x64xi32, #tpu.memory_space<vmem>>[vector<16xi32>, vector<16xi32>], vector<16xi32>,
        %gather3A_141 = tpu.vector_load_idx %arg13[%add3A_123, %broadcast_in_dim3A_139] : memref<256x64xf32, #tpu.memory_space<vmem>>[vector<16xi32>, vector<16xi32>], vector<16xf32>,
        %jit3A_142 = arith.constant 0 : i32
        %jit3A_143 = arith.constant 4095 : i32
        %max3A = vector.broadcast %jit3A_142 : i32 to vector<16xi32>
        %max3A_144 = arith.maxsi %max3A, %gather3A_140 : vector<16xi32>
        %min3A = vector.broadcast %jit3A_143 : i32 to vector<16xi32>
        %min3A_145 = arith.minsi %min3A, %max3A_144 : vector<16xi32>
        %gather3A_146 = tpu.vector_load_idx %arg11[%min3A_145] : memref<4096xf32, #tpu.memory_space<vmem>>[vector<16xi32>], vector<16xf32>,
        %min3A_147 = arith.constant 1.000000e+01 : f32
        %min3A_148 = vector.broadcast %min3A_147 : f32 to vector<16xf32>
        %min3A_149 = arith.minimumf %gather3A_141, %min3A_148 : vector<16xf32>
        %sub3A_150 = arith.subf %min3A_149, %get3A_36 : vector<16xf32>
        %mul3A_151 = arith.mulf %sub3A_150, %sub3A_150 : vector<16xf32>
        %neg3A = arith.constant 0.000000e+00 : f32
        %neg3A_152 = vector.broadcast %neg3A : f32 to vector<16xf32>
        %neg3A_153 = arith.subf %neg3A_152, %mul3A_151 : vector<16xf32>
        %mul3A_154 = arith.mulf %neg3A_153, %get3A_38 : vector<16xf32>
        %exp3A = math.exp %mul3A_154 : vector<16xf32>
        %lt3A_155 = arith.constant 9.99989986 : f32
        %lt3A_156 = vector.broadcast %lt3A_155 : f32 to vector<16xf32>
        %lt3A_157 = arith.cmpf olt, %gather3A_141, %lt3A_156 : vector<16xf32>
        %jit3A_158 = arith.constant 0.000000e+00 : f32
        %broadcast_in_dim3A_159 = vector.broadcast %jit3A_158 : f32 to vector<16xf32>
        %select_n3A_160 = arith.select %lt3A_157, %exp3A, %broadcast_in_dim3A_159 : vector<16xi1>, vector<16xf32>
        %mul3A_161 = arith.mulf %gather3A_146, %select_n3A_160 : vector<16xf32>
        %add3A_162 = arith.addf %scan3A_138, %mul3A_161 : vector<16xf32>
        scf.yield %add3A_162 : vector<16xf32>
      }
      %scan3A_130 = arith.constant 64 : i32
      %add3A_131 = vector.broadcast %add3A_62 : i32 to vector<16xi32>
      %add3A_132 = arith.addi %add3A_123, %add3A_131 : vector<16xi32>
      %gather3A = tpu.vector_load_idx %arg11[%add3A_132] : memref<4096xf32, #tpu.memory_space<vmem>>[vector<16xi32>], vector<16xf32>,
      %mul3A_133 = arith.mulf %gather3A, %scan3A_129 : vector<16xf32>
      %mul3A_134 = arith.constant 16 : i32
      %mul3A_135 = arith.muli %scan3A_119, %mul3A_134 : i32
      %swap3A = arith.index_cast %mul3A_135 : i32 to index
      %swap3A_136 = tpu.vector_load %arg14[%swap3A] {strides = array<i32>} : memref<256xf32, #tpu.memory_space<vmem>>, vector<16xf32>,
      tpu.vector_store %arg14[%swap3A], %mul3A_133 {strides = array<i32>} : memref<256xf32, #tpu.memory_space<vmem>>, vector<16xf32>,
    }
    %scan3A_68 = arith.constant 16 : i32
    "tpu.region"() ({
      %run_scoped3A = tpu.sem_alloc : memref<!tpu.dma_semaphore, #tpu.memory_space<semaphore_mem>>
      %dma_start3A = tpu.memref_slice %arg7[%select_n3A, %add3A_62] : memref<16x4096xf32, #tpu.memory_space<hbm>> -> memref<1x256xf32, #tpu.memory_space<hbm>>
      %dma_start3A_119 = tpu.memref_squeeze %dma_start3A : memref<1x256xf32, #tpu.memory_space<hbm>> -> memref<256xf32, #tpu.memory_space<hbm>>
      %dma_start3A_120 = tpu.memref_slice %arg7[%select_n3A, %add3A_62] : memref<16x4096xf32, #tpu.memory_space<hbm>> -> memref<1x256xf32, #tpu.memory_space<hbm>>
      %dma_start3A_121 = tpu.memref_squeeze %dma_start3A_120 : memref<1x256xf32, #tpu.memory_space<hbm>> -> memref<256xf32, #tpu.memory_space<hbm>>
      tpu.enqueue_dma source(%arg14 : memref<256xf32, #tpu.memory_space<vmem>>) target(%dma_start3A_121 : memref<256xf32, #tpu.memory_space<hbm>>) target_semaphore(%run_scoped3A : memref<!tpu.dma_semaphore, #tpu.memory_space<semaphore_mem>>)
      %dma_wait3A = tpu.memref_slice %arg7[%select_n3A, %add3A_62] : memref<16x4096xf32, #tpu.memory_space<hbm>> -> memref<1x256xf32, #tpu.memory_space<hbm>>
      %dma_wait3A_122 = tpu.memref_squeeze %dma_wait3A : memref<1x256xf32, #tpu.memory_space<hbm>> -> memref<256xf32, #tpu.memory_space<hbm>>
      %dma_wait3A_123 = tpu.memref_slice %arg7[%select_n3A, %add3A_62] : memref<16x4096xf32, #tpu.memory_space<hbm>> -> memref<1x256xf32, #tpu.memory_space<hbm>>
      %dma_wait3A_124 = tpu.memref_squeeze %dma_wait3A_123 : memref<1x256xf32, #tpu.memory_space<hbm>> -> memref<256xf32, #tpu.memory_space<hbm>>
      tpu.wait_dma2 semaphore(%run_scoped3A : memref<!tpu.dma_semaphore, #tpu.memory_space<semaphore_mem>>) src(%arg14 : memref<256xf32, #tpu.memory_space<vmem>>) dst(%dma_wait3A_124 : memref<256xf32, #tpu.memory_space<hbm>>)
      tpu.yield
    }) : () -> ()
    %mul3A_69 = arith.constant 2048 : i32
    %mul3A_70 = arith.muli %select_n3A_30, %mul3A_69 : i32
    %add3A_71 = arith.constant 768 : i32
    %add3A_72 = arith.addi %mul3A_70, %add3A_71 : i32
    "tpu.region"() ({
      %run_scoped3A = tpu.sem_alloc : memref<!tpu.dma_semaphore, #tpu.memory_space<semaphore_mem>>
      %dma_start3A = arith.constant 0 : i32
      %dma_start3A_119 = tpu.memref_slice %arg4[%select_n3A, %add3A_72, %dma_start3A] : memref<16x4096x64xi32, #tpu.memory_space<hbm>> -> memref<1x256x64xi32, #tpu.memory_space<hbm>>
      %dma_start3A_120 = tpu.memref_squeeze %dma_start3A_119 : memref<1x256x64xi32, #tpu.memory_space<hbm>> -> memref<256x64xi32, #tpu.memory_space<hbm>>
      %dma_start3A_121 = arith.constant 0 : i32
      %dma_start3A_122 = tpu.memref_slice %arg4[%select_n3A, %add3A_72, %dma_start3A_121] : memref<16x4096x64xi32, #tpu.memory_space<hbm>> -> memref<1x256x64xi32, #tpu.memory_space<hbm>>
      %dma_start3A_123 = tpu.memref_squeeze %dma_start3A_122 : memref<1x256x64xi32, #tpu.memory_space<hbm>> -> memref<256x64xi32, #tpu.memory_space<hbm>>
      tpu.enqueue_dma source(%dma_start3A_123 : memref<256x64xi32, #tpu.memory_space<hbm>>) target(%arg12 : memref<256x64xi32, #tpu.memory_space<vmem>>) target_semaphore(%run_scoped3A : memref<!tpu.dma_semaphore, #tpu.memory_space<semaphore_mem>>)
      %dma_wait3A = arith.constant 0 : i32
      %dma_wait3A_124 = tpu.memref_slice %arg4[%select_n3A, %add3A_72, %dma_wait3A] : memref<16x4096x64xi32, #tpu.memory_space<hbm>> -> memref<1x256x64xi32, #tpu.memory_space<hbm>>
      %dma_wait3A_125 = tpu.memref_squeeze %dma_wait3A_124 : memref<1x256x64xi32, #tpu.memory_space<hbm>> -> memref<256x64xi32, #tpu.memory_space<hbm>>
      %dma_wait3A_126 = arith.constant 0 : i32
      %dma_wait3A_127 = tpu.memref_slice %arg4[%select_n3A, %add3A_72, %dma_wait3A_126] : memref<16x4096x64xi32, #tpu.memory_space<hbm>> -> memref<1x256x64xi32, #tpu.memory_space<hbm>>
      %dma_wait3A_128 = tpu.memref_squeeze %dma_wait3A_127 : memref<1x256x64xi32, #tpu.memory_space<hbm>> -> memref<256x64xi32, #tpu.memory_space<hbm>>
      tpu.wait_dma2 semaphore(%run_scoped3A : memref<!tpu.dma_semaphore, #tpu.memory_space<semaphore_mem>>) src(%dma_wait3A_128 : memref<256x64xi32, #tpu.memory_space<hbm>>) dst(%arg12 : memref<256x64xi32, #tpu.memory_space<vmem>>)
      tpu.yield
    }) : () -> ()
    "tpu.region"() ({
      %run_scoped3A = tpu.sem_alloc : memref<!tpu.dma_semaphore, #tpu.memory_space<semaphore_mem>>
      %dma_start3A = arith.constant 0 : i32
      %dma_start3A_119 = tpu.memref_slice %arg3[%select_n3A, %add3A_72, %dma_start3A] : memref<16x4096x64xf32, #tpu.memory_space<hbm>> -> memref<1x256x64xf32, #tpu.memory_space<hbm>>
      %dma_start3A_120 = tpu.memref_squeeze %dma_start3A_119 : memref<1x256x64xf32, #tpu.memory_space<hbm>> -> memref<256x64xf32, #tpu.memory_space<hbm>>
      %dma_start3A_121 = arith.constant 0 : i32
      %dma_start3A_122 = tpu.memref_slice %arg3[%select_n3A, %add3A_72, %dma_start3A_121] : memref<16x4096x64xf32, #tpu.memory_space<hbm>> -> memref<1x256x64xf32, #tpu.memory_space<hbm>>
      %dma_start3A_123 = tpu.memref_squeeze %dma_start3A_122 : memref<1x256x64xf32, #tpu.memory_space<hbm>> -> memref<256x64xf32, #tpu.memory_space<hbm>>
      tpu.enqueue_dma source(%dma_start3A_123 : memref<256x64xf32, #tpu.memory_space<hbm>>) target(%arg13 : memref<256x64xf32, #tpu.memory_space<vmem>>) target_semaphore(%run_scoped3A : memref<!tpu.dma_semaphore, #tpu.memory_space<semaphore_mem>>)
      %dma_wait3A = arith.constant 0 : i32
      %dma_wait3A_124 = tpu.memref_slice %arg3[%select_n3A, %add3A_72, %dma_wait3A] : memref<16x4096x64xf32, #tpu.memory_space<hbm>> -> memref<1x256x64xf32, #tpu.memory_space<hbm>>
      %dma_wait3A_125 = tpu.memref_squeeze %dma_wait3A_124 : memref<1x256x64xf32, #tpu.memory_space<hbm>> -> memref<256x64xf32, #tpu.memory_space<hbm>>
      %dma_wait3A_126 = arith.constant 0 : i32
      %dma_wait3A_127 = tpu.memref_slice %arg3[%select_n3A, %add3A_72, %dma_wait3A_126] : memref<16x4096x64xf32, #tpu.memory_space<hbm>> -> memref<1x256x64xf32, #tpu.memory_space<hbm>>
      %dma_wait3A_128 = tpu.memref_squeeze %dma_wait3A_127 : memref<1x256x64xf32, #tpu.memory_space<hbm>> -> memref<256x64xf32, #tpu.memory_space<hbm>>
      tpu.wait_dma2 semaphore(%run_scoped3A : memref<!tpu.dma_semaphore, #tpu.memory_space<semaphore_mem>>) src(%dma_wait3A_128 : memref<256x64xf32, #tpu.memory_space<hbm>>) dst(%arg13 : memref<256x64xf32, #tpu.memory_space<vmem>>)
      tpu.yield
    }) : () -> ()
    %scan3A_73 = arith.constant 0 : i32
    %scan3A_74 = arith.constant 0 : i32
    %scan3A_75 = arith.constant 16 : i32
    %scan3A_76 = arith.addi %scan3A_74, %scan3A_75 : i32
    %scan3A_77 = arith.constant 1 : i32
    scf.for %scan3A_119 = %scan3A_74 to %scan3A_76 step %scan3A_77  : i32 {
      %mul3A_120 = arith.constant 16 : i32
      %mul3A_121 = arith.muli %scan3A_119, %mul3A_120 : i32
      %add3A_122 = vector.broadcast %mul3A_121 : i32 to vector<16xi32>
      %add3A_123 = arith.addi %iota3A, %add3A_122 : vector<16xi32>
      %broadcast_in_dim3A = arith.constant 0.000000e+00 : f32
      %broadcast_in_dim3A_124 = vector.broadcast %broadcast_in_dim3A : f32 to vector<16xf32>
      %scan3A_125 = arith.constant 0 : i32
      %scan3A_126 = arith.constant 64 : i32
      %scan3A_127 = arith.addi %scan3A_125, %scan3A_126 : i32
      %scan3A_128 = arith.constant 1 : i32
      %scan3A_129 = scf.for %scan3A_137 = %scan3A_125 to %scan3A_127 step %scan3A_128 iter_args(%scan3A_138 = %broadcast_in_dim3A_124) -> (vector<16xf32>)  : i32 {
        %broadcast_in_dim3A_139 = vector.broadcast %scan3A_137 : i32 to vector<16xi32>
        %gather3A_140 = tpu.vector_load_idx %arg12[%add3A_123, %broadcast_in_dim3A_139] : memref<256x64xi32, #tpu.memory_space<vmem>>[vector<16xi32>, vector<16xi32>], vector<16xi32>,
        %gather3A_141 = tpu.vector_load_idx %arg13[%add3A_123, %broadcast_in_dim3A_139] : memref<256x64xf32, #tpu.memory_space<vmem>>[vector<16xi32>, vector<16xi32>], vector<16xf32>,
        %jit3A_142 = arith.constant 0 : i32
        %jit3A_143 = arith.constant 4095 : i32
        %max3A = vector.broadcast %jit3A_142 : i32 to vector<16xi32>
        %max3A_144 = arith.maxsi %max3A, %gather3A_140 : vector<16xi32>
        %min3A = vector.broadcast %jit3A_143 : i32 to vector<16xi32>
        %min3A_145 = arith.minsi %min3A, %max3A_144 : vector<16xi32>
        %gather3A_146 = tpu.vector_load_idx %arg11[%min3A_145] : memref<4096xf32, #tpu.memory_space<vmem>>[vector<16xi32>], vector<16xf32>,
        %min3A_147 = arith.constant 1.000000e+01 : f32
        %min3A_148 = vector.broadcast %min3A_147 : f32 to vector<16xf32>
        %min3A_149 = arith.minimumf %gather3A_141, %min3A_148 : vector<16xf32>
        %sub3A_150 = arith.subf %min3A_149, %get3A_36 : vector<16xf32>
        %mul3A_151 = arith.mulf %sub3A_150, %sub3A_150 : vector<16xf32>
        %neg3A = arith.constant 0.000000e+00 : f32
        %neg3A_152 = vector.broadcast %neg3A : f32 to vector<16xf32>
        %neg3A_153 = arith.subf %neg3A_152, %mul3A_151 : vector<16xf32>
        %mul3A_154 = arith.mulf %neg3A_153, %get3A_38 : vector<16xf32>
        %exp3A = math.exp %mul3A_154 : vector<16xf32>
        %lt3A_155 = arith.constant 9.99989986 : f32
        %lt3A_156 = vector.broadcast %lt3A_155 : f32 to vector<16xf32>
        %lt3A_157 = arith.cmpf olt, %gather3A_141, %lt3A_156 : vector<16xf32>
        %jit3A_158 = arith.constant 0.000000e+00 : f32
        %broadcast_in_dim3A_159 = vector.broadcast %jit3A_158 : f32 to vector<16xf32>
        %select_n3A_160 = arith.select %lt3A_157, %exp3A, %broadcast_in_dim3A_159 : vector<16xi1>, vector<16xf32>
        %mul3A_161 = arith.mulf %gather3A_146, %select_n3A_160 : vector<16xf32>
        %add3A_162 = arith.addf %scan3A_138, %mul3A_161 : vector<16xf32>
        scf.yield %add3A_162 : vector<16xf32>
      }
      %scan3A_130 = arith.constant 64 : i32
      %add3A_131 = vector.broadcast %add3A_72 : i32 to vector<16xi32>
      %add3A_132 = arith.addi %add3A_123, %add3A_131 : vector<16xi32>
      %gather3A = tpu.vector_load_idx %arg11[%add3A_132] : memref<4096xf32, #tpu.memory_space<vmem>>[vector<16xi32>], vector<16xf32>,
      %mul3A_133 = arith.mulf %gather3A, %scan3A_129 : vector<16xf32>
      %mul3A_134 = arith.constant 16 : i32
      %mul3A_135 = arith.muli %scan3A_119, %mul3A_134 : i32
      %swap3A = arith.index_cast %mul3A_135 : i32 to index
      %swap3A_136 = tpu.vector_load %arg14[%swap3A] {strides = array<i32>} : memref<256xf32, #tpu.memory_space<vmem>>, vector<16xf32>,
      tpu.vector_store %arg14[%swap3A], %mul3A_133 {strides = array<i32>} : memref<256xf32, #tpu.memory_space<vmem>>, vector<16xf32>,
    }
    %scan3A_78 = arith.constant 16 : i32
    "tpu.region"() ({
      %run_scoped3A = tpu.sem_alloc : memref<!tpu.dma_semaphore, #tpu.memory_space<semaphore_mem>>
      %dma_start3A = tpu.memref_slice %arg7[%select_n3A, %add3A_72] : memref<16x4096xf32, #tpu.memory_space<hbm>> -> memref<1x256xf32, #tpu.memory_space<hbm>>
      %dma_start3A_119 = tpu.memref_squeeze %dma_start3A : memref<1x256xf32, #tpu.memory_space<hbm>> -> memref<256xf32, #tpu.memory_space<hbm>>
      %dma_start3A_120 = tpu.memref_slice %arg7[%select_n3A, %add3A_72] : memref<16x4096xf32, #tpu.memory_space<hbm>> -> memref<1x256xf32, #tpu.memory_space<hbm>>
      %dma_start3A_121 = tpu.memref_squeeze %dma_start3A_120 : memref<1x256xf32, #tpu.memory_space<hbm>> -> memref<256xf32, #tpu.memory_space<hbm>>
      tpu.enqueue_dma source(%arg14 : memref<256xf32, #tpu.memory_space<vmem>>) target(%dma_start3A_121 : memref<256xf32, #tpu.memory_space<hbm>>) target_semaphore(%run_scoped3A : memref<!tpu.dma_semaphore, #tpu.memory_space<semaphore_mem>>)
      %dma_wait3A = tpu.memref_slice %arg7[%select_n3A, %add3A_72] : memref<16x4096xf32, #tpu.memory_space<hbm>> -> memref<1x256xf32, #tpu.memory_space<hbm>>
      %dma_wait3A_122 = tpu.memref_squeeze %dma_wait3A : memref<1x256xf32, #tpu.memory_space<hbm>> -> memref<256xf32, #tpu.memory_space<hbm>>
      %dma_wait3A_123 = tpu.memref_slice %arg7[%select_n3A, %add3A_72] : memref<16x4096xf32, #tpu.memory_space<hbm>> -> memref<1x256xf32, #tpu.memory_space<hbm>>
      %dma_wait3A_124 = tpu.memref_squeeze %dma_wait3A_123 : memref<1x256xf32, #tpu.memory_space<hbm>> -> memref<256xf32, #tpu.memory_space<hbm>>
      tpu.wait_dma2 semaphore(%run_scoped3A : memref<!tpu.dma_semaphore, #tpu.memory_space<semaphore_mem>>) src(%arg14 : memref<256xf32, #tpu.memory_space<vmem>>) dst(%dma_wait3A_124 : memref<256xf32, #tpu.memory_space<hbm>>)
      tpu.yield
    }) : () -> ()
    %mul3A_79 = arith.constant 2048 : i32
    %mul3A_80 = arith.muli %select_n3A_30, %mul3A_79 : i32
    %add3A_81 = arith.constant 1024 : i32
    %add3A_82 = arith.addi %mul3A_80, %add3A_81 : i32
    "tpu.region"() ({
      %run_scoped3A = tpu.sem_alloc : memref<!tpu.dma_semaphore, #tpu.memory_space<semaphore_mem>>
      %dma_start3A = arith.constant 0 : i32
      %dma_start3A_119 = tpu.memref_slice %arg4[%select_n3A, %add3A_82, %dma_start3A] : memref<16x4096x64xi32, #tpu.memory_space<hbm>> -> memref<1x256x64xi32, #tpu.memory_space<hbm>>
      %dma_start3A_120 = tpu.memref_squeeze %dma_start3A_119 : memref<1x256x64xi32, #tpu.memory_space<hbm>> -> memref<256x64xi32, #tpu.memory_space<hbm>>
      %dma_start3A_121 = arith.constant 0 : i32
      %dma_start3A_122 = tpu.memref_slice %arg4[%select_n3A, %add3A_82, %dma_start3A_121] : memref<16x4096x64xi32, #tpu.memory_space<hbm>> -> memref<1x256x64xi32, #tpu.memory_space<hbm>>
      %dma_start3A_123 = tpu.memref_squeeze %dma_start3A_122 : memref<1x256x64xi32, #tpu.memory_space<hbm>> -> memref<256x64xi32, #tpu.memory_space<hbm>>
      tpu.enqueue_dma source(%dma_start3A_123 : memref<256x64xi32, #tpu.memory_space<hbm>>) target(%arg12 : memref<256x64xi32, #tpu.memory_space<vmem>>) target_semaphore(%run_scoped3A : memref<!tpu.dma_semaphore, #tpu.memory_space<semaphore_mem>>)
      %dma_wait3A = arith.constant 0 : i32
      %dma_wait3A_124 = tpu.memref_slice %arg4[%select_n3A, %add3A_82, %dma_wait3A] : memref<16x4096x64xi32, #tpu.memory_space<hbm>> -> memref<1x256x64xi32, #tpu.memory_space<hbm>>
      %dma_wait3A_125 = tpu.memref_squeeze %dma_wait3A_124 : memref<1x256x64xi32, #tpu.memory_space<hbm>> -> memref<256x64xi32, #tpu.memory_space<hbm>>
      %dma_wait3A_126 = arith.constant 0 : i32
      %dma_wait3A_127 = tpu.memref_slice %arg4[%select_n3A, %add3A_82, %dma_wait3A_126] : memref<16x4096x64xi32, #tpu.memory_space<hbm>> -> memref<1x256x64xi32, #tpu.memory_space<hbm>>
      %dma_wait3A_128 = tpu.memref_squeeze %dma_wait3A_127 : memref<1x256x64xi32, #tpu.memory_space<hbm>> -> memref<256x64xi32, #tpu.memory_space<hbm>>
      tpu.wait_dma2 semaphore(%run_scoped3A : memref<!tpu.dma_semaphore, #tpu.memory_space<semaphore_mem>>) src(%dma_wait3A_128 : memref<256x64xi32, #tpu.memory_space<hbm>>) dst(%arg12 : memref<256x64xi32, #tpu.memory_space<vmem>>)
      tpu.yield
    }) : () -> ()
    "tpu.region"() ({
      %run_scoped3A = tpu.sem_alloc : memref<!tpu.dma_semaphore, #tpu.memory_space<semaphore_mem>>
      %dma_start3A = arith.constant 0 : i32
      %dma_start3A_119 = tpu.memref_slice %arg3[%select_n3A, %add3A_82, %dma_start3A] : memref<16x4096x64xf32, #tpu.memory_space<hbm>> -> memref<1x256x64xf32, #tpu.memory_space<hbm>>
      %dma_start3A_120 = tpu.memref_squeeze %dma_start3A_119 : memref<1x256x64xf32, #tpu.memory_space<hbm>> -> memref<256x64xf32, #tpu.memory_space<hbm>>
      %dma_start3A_121 = arith.constant 0 : i32
      %dma_start3A_122 = tpu.memref_slice %arg3[%select_n3A, %add3A_82, %dma_start3A_121] : memref<16x4096x64xf32, #tpu.memory_space<hbm>> -> memref<1x256x64xf32, #tpu.memory_space<hbm>>
      %dma_start3A_123 = tpu.memref_squeeze %dma_start3A_122 : memref<1x256x64xf32, #tpu.memory_space<hbm>> -> memref<256x64xf32, #tpu.memory_space<hbm>>
      tpu.enqueue_dma source(%dma_start3A_123 : memref<256x64xf32, #tpu.memory_space<hbm>>) target(%arg13 : memref<256x64xf32, #tpu.memory_space<vmem>>) target_semaphore(%run_scoped3A : memref<!tpu.dma_semaphore, #tpu.memory_space<semaphore_mem>>)
      %dma_wait3A = arith.constant 0 : i32
      %dma_wait3A_124 = tpu.memref_slice %arg3[%select_n3A, %add3A_82, %dma_wait3A] : memref<16x4096x64xf32, #tpu.memory_space<hbm>> -> memref<1x256x64xf32, #tpu.memory_space<hbm>>
      %dma_wait3A_125 = tpu.memref_squeeze %dma_wait3A_124 : memref<1x256x64xf32, #tpu.memory_space<hbm>> -> memref<256x64xf32, #tpu.memory_space<hbm>>
      %dma_wait3A_126 = arith.constant 0 : i32
      %dma_wait3A_127 = tpu.memref_slice %arg3[%select_n3A, %add3A_82, %dma_wait3A_126] : memref<16x4096x64xf32, #tpu.memory_space<hbm>> -> memref<1x256x64xf32, #tpu.memory_space<hbm>>
      %dma_wait3A_128 = tpu.memref_squeeze %dma_wait3A_127 : memref<1x256x64xf32, #tpu.memory_space<hbm>> -> memref<256x64xf32, #tpu.memory_space<hbm>>
      tpu.wait_dma2 semaphore(%run_scoped3A : memref<!tpu.dma_semaphore, #tpu.memory_space<semaphore_mem>>) src(%dma_wait3A_128 : memref<256x64xf32, #tpu.memory_space<hbm>>) dst(%arg13 : memref<256x64xf32, #tpu.memory_space<vmem>>)
      tpu.yield
    }) : () -> ()
    %scan3A_83 = arith.constant 0 : i32
    %scan3A_84 = arith.constant 0 : i32
    %scan3A_85 = arith.constant 16 : i32
    %scan3A_86 = arith.addi %scan3A_84, %scan3A_85 : i32
    %scan3A_87 = arith.constant 1 : i32
    scf.for %scan3A_119 = %scan3A_84 to %scan3A_86 step %scan3A_87  : i32 {
      %mul3A_120 = arith.constant 16 : i32
      %mul3A_121 = arith.muli %scan3A_119, %mul3A_120 : i32
      %add3A_122 = vector.broadcast %mul3A_121 : i32 to vector<16xi32>
      %add3A_123 = arith.addi %iota3A, %add3A_122 : vector<16xi32>
      %broadcast_in_dim3A = arith.constant 0.000000e+00 : f32
      %broadcast_in_dim3A_124 = vector.broadcast %broadcast_in_dim3A : f32 to vector<16xf32>
      %scan3A_125 = arith.constant 0 : i32
      %scan3A_126 = arith.constant 64 : i32
      %scan3A_127 = arith.addi %scan3A_125, %scan3A_126 : i32
      %scan3A_128 = arith.constant 1 : i32
      %scan3A_129 = scf.for %scan3A_137 = %scan3A_125 to %scan3A_127 step %scan3A_128 iter_args(%scan3A_138 = %broadcast_in_dim3A_124) -> (vector<16xf32>)  : i32 {
        %broadcast_in_dim3A_139 = vector.broadcast %scan3A_137 : i32 to vector<16xi32>
        %gather3A_140 = tpu.vector_load_idx %arg12[%add3A_123, %broadcast_in_dim3A_139] : memref<256x64xi32, #tpu.memory_space<vmem>>[vector<16xi32>, vector<16xi32>], vector<16xi32>,
        %gather3A_141 = tpu.vector_load_idx %arg13[%add3A_123, %broadcast_in_dim3A_139] : memref<256x64xf32, #tpu.memory_space<vmem>>[vector<16xi32>, vector<16xi32>], vector<16xf32>,
        %jit3A_142 = arith.constant 0 : i32
        %jit3A_143 = arith.constant 4095 : i32
        %max3A = vector.broadcast %jit3A_142 : i32 to vector<16xi32>
        %max3A_144 = arith.maxsi %max3A, %gather3A_140 : vector<16xi32>
        %min3A = vector.broadcast %jit3A_143 : i32 to vector<16xi32>
        %min3A_145 = arith.minsi %min3A, %max3A_144 : vector<16xi32>
        %gather3A_146 = tpu.vector_load_idx %arg11[%min3A_145] : memref<4096xf32, #tpu.memory_space<vmem>>[vector<16xi32>], vector<16xf32>,
        %min3A_147 = arith.constant 1.000000e+01 : f32
        %min3A_148 = vector.broadcast %min3A_147 : f32 to vector<16xf32>
        %min3A_149 = arith.minimumf %gather3A_141, %min3A_148 : vector<16xf32>
        %sub3A_150 = arith.subf %min3A_149, %get3A_36 : vector<16xf32>
        %mul3A_151 = arith.mulf %sub3A_150, %sub3A_150 : vector<16xf32>
        %neg3A = arith.constant 0.000000e+00 : f32
        %neg3A_152 = vector.broadcast %neg3A : f32 to vector<16xf32>
        %neg3A_153 = arith.subf %neg3A_152, %mul3A_151 : vector<16xf32>
        %mul3A_154 = arith.mulf %neg3A_153, %get3A_38 : vector<16xf32>
        %exp3A = math.exp %mul3A_154 : vector<16xf32>
        %lt3A_155 = arith.constant 9.99989986 : f32
        %lt3A_156 = vector.broadcast %lt3A_155 : f32 to vector<16xf32>
        %lt3A_157 = arith.cmpf olt, %gather3A_141, %lt3A_156 : vector<16xf32>
        %jit3A_158 = arith.constant 0.000000e+00 : f32
        %broadcast_in_dim3A_159 = vector.broadcast %jit3A_158 : f32 to vector<16xf32>
        %select_n3A_160 = arith.select %lt3A_157, %exp3A, %broadcast_in_dim3A_159 : vector<16xi1>, vector<16xf32>
        %mul3A_161 = arith.mulf %gather3A_146, %select_n3A_160 : vector<16xf32>
        %add3A_162 = arith.addf %scan3A_138, %mul3A_161 : vector<16xf32>
        scf.yield %add3A_162 : vector<16xf32>
      }
      %scan3A_130 = arith.constant 64 : i32
      %add3A_131 = vector.broadcast %add3A_82 : i32 to vector<16xi32>
      %add3A_132 = arith.addi %add3A_123, %add3A_131 : vector<16xi32>
      %gather3A = tpu.vector_load_idx %arg11[%add3A_132] : memref<4096xf32, #tpu.memory_space<vmem>>[vector<16xi32>], vector<16xf32>,
      %mul3A_133 = arith.mulf %gather3A, %scan3A_129 : vector<16xf32>
      %mul3A_134 = arith.constant 16 : i32
      %mul3A_135 = arith.muli %scan3A_119, %mul3A_134 : i32
      %swap3A = arith.index_cast %mul3A_135 : i32 to index
      %swap3A_136 = tpu.vector_load %arg14[%swap3A] {strides = array<i32>} : memref<256xf32, #tpu.memory_space<vmem>>, vector<16xf32>,
      tpu.vector_store %arg14[%swap3A], %mul3A_133 {strides = array<i32>} : memref<256xf32, #tpu.memory_space<vmem>>, vector<16xf32>,
    }
    %scan3A_88 = arith.constant 16 : i32
    "tpu.region"() ({
      %run_scoped3A = tpu.sem_alloc : memref<!tpu.dma_semaphore, #tpu.memory_space<semaphore_mem>>
      %dma_start3A = tpu.memref_slice %arg7[%select_n3A, %add3A_82] : memref<16x4096xf32, #tpu.memory_space<hbm>> -> memref<1x256xf32, #tpu.memory_space<hbm>>
      %dma_start3A_119 = tpu.memref_squeeze %dma_start3A : memref<1x256xf32, #tpu.memory_space<hbm>> -> memref<256xf32, #tpu.memory_space<hbm>>
      %dma_start3A_120 = tpu.memref_slice %arg7[%select_n3A, %add3A_82] : memref<16x4096xf32, #tpu.memory_space<hbm>> -> memref<1x256xf32, #tpu.memory_space<hbm>>
      %dma_start3A_121 = tpu.memref_squeeze %dma_start3A_120 : memref<1x256xf32, #tpu.memory_space<hbm>> -> memref<256xf32, #tpu.memory_space<hbm>>
      tpu.enqueue_dma source(%arg14 : memref<256xf32, #tpu.memory_space<vmem>>) target(%dma_start3A_121 : memref<256xf32, #tpu.memory_space<hbm>>) target_semaphore(%run_scoped3A : memref<!tpu.dma_semaphore, #tpu.memory_space<semaphore_mem>>)
      %dma_wait3A = tpu.memref_slice %arg7[%select_n3A, %add3A_82] : memref<16x4096xf32, #tpu.memory_space<hbm>> -> memref<1x256xf32, #tpu.memory_space<hbm>>
      %dma_wait3A_122 = tpu.memref_squeeze %dma_wait3A : memref<1x256xf32, #tpu.memory_space<hbm>> -> memref<256xf32, #tpu.memory_space<hbm>>
      %dma_wait3A_123 = tpu.memref_slice %arg7[%select_n3A, %add3A_82] : memref<16x4096xf32, #tpu.memory_space<hbm>> -> memref<1x256xf32, #tpu.memory_space<hbm>>
      %dma_wait3A_124 = tpu.memref_squeeze %dma_wait3A_123 : memref<1x256xf32, #tpu.memory_space<hbm>> -> memref<256xf32, #tpu.memory_space<hbm>>
      tpu.wait_dma2 semaphore(%run_scoped3A : memref<!tpu.dma_semaphore, #tpu.memory_space<semaphore_mem>>) src(%arg14 : memref<256xf32, #tpu.memory_space<vmem>>) dst(%dma_wait3A_124 : memref<256xf32, #tpu.memory_space<hbm>>)
      tpu.yield
    }) : () -> ()
    %mul3A_89 = arith.constant 2048 : i32
    %mul3A_90 = arith.muli %select_n3A_30, %mul3A_89 : i32
    %add3A_91 = arith.constant 1280 : i32
    %add3A_92 = arith.addi %mul3A_90, %add3A_91 : i32
    "tpu.region"() ({
      %run_scoped3A = tpu.sem_alloc : memref<!tpu.dma_semaphore, #tpu.memory_space<semaphore_mem>>
      %dma_start3A = arith.constant 0 : i32
      %dma_start3A_119 = tpu.memref_slice %arg4[%select_n3A, %add3A_92, %dma_start3A] : memref<16x4096x64xi32, #tpu.memory_space<hbm>> -> memref<1x256x64xi32, #tpu.memory_space<hbm>>
      %dma_start3A_120 = tpu.memref_squeeze %dma_start3A_119 : memref<1x256x64xi32, #tpu.memory_space<hbm>> -> memref<256x64xi32, #tpu.memory_space<hbm>>
      %dma_start3A_121 = arith.constant 0 : i32
      %dma_start3A_122 = tpu.memref_slice %arg4[%select_n3A, %add3A_92, %dma_start3A_121] : memref<16x4096x64xi32, #tpu.memory_space<hbm>> -> memref<1x256x64xi32, #tpu.memory_space<hbm>>
      %dma_start3A_123 = tpu.memref_squeeze %dma_start3A_122 : memref<1x256x64xi32, #tpu.memory_space<hbm>> -> memref<256x64xi32, #tpu.memory_space<hbm>>
      tpu.enqueue_dma source(%dma_start3A_123 : memref<256x64xi32, #tpu.memory_space<hbm>>) target(%arg12 : memref<256x64xi32, #tpu.memory_space<vmem>>) target_semaphore(%run_scoped3A : memref<!tpu.dma_semaphore, #tpu.memory_space<semaphore_mem>>)
      %dma_wait3A = arith.constant 0 : i32
      %dma_wait3A_124 = tpu.memref_slice %arg4[%select_n3A, %add3A_92, %dma_wait3A] : memref<16x4096x64xi32, #tpu.memory_space<hbm>> -> memref<1x256x64xi32, #tpu.memory_space<hbm>>
      %dma_wait3A_125 = tpu.memref_squeeze %dma_wait3A_124 : memref<1x256x64xi32, #tpu.memory_space<hbm>> -> memref<256x64xi32, #tpu.memory_space<hbm>>
      %dma_wait3A_126 = arith.constant 0 : i32
      %dma_wait3A_127 = tpu.memref_slice %arg4[%select_n3A, %add3A_92, %dma_wait3A_126] : memref<16x4096x64xi32, #tpu.memory_space<hbm>> -> memref<1x256x64xi32, #tpu.memory_space<hbm>>
      %dma_wait3A_128 = tpu.memref_squeeze %dma_wait3A_127 : memref<1x256x64xi32, #tpu.memory_space<hbm>> -> memref<256x64xi32, #tpu.memory_space<hbm>>
      tpu.wait_dma2 semaphore(%run_scoped3A : memref<!tpu.dma_semaphore, #tpu.memory_space<semaphore_mem>>) src(%dma_wait3A_128 : memref<256x64xi32, #tpu.memory_space<hbm>>) dst(%arg12 : memref<256x64xi32, #tpu.memory_space<vmem>>)
      tpu.yield
    }) : () -> ()
    "tpu.region"() ({
      %run_scoped3A = tpu.sem_alloc : memref<!tpu.dma_semaphore, #tpu.memory_space<semaphore_mem>>
      %dma_start3A = arith.constant 0 : i32
      %dma_start3A_119 = tpu.memref_slice %arg3[%select_n3A, %add3A_92, %dma_start3A] : memref<16x4096x64xf32, #tpu.memory_space<hbm>> -> memref<1x256x64xf32, #tpu.memory_space<hbm>>
      %dma_start3A_120 = tpu.memref_squeeze %dma_start3A_119 : memref<1x256x64xf32, #tpu.memory_space<hbm>> -> memref<256x64xf32, #tpu.memory_space<hbm>>
      %dma_start3A_121 = arith.constant 0 : i32
      %dma_start3A_122 = tpu.memref_slice %arg3[%select_n3A, %add3A_92, %dma_start3A_121] : memref<16x4096x64xf32, #tpu.memory_space<hbm>> -> memref<1x256x64xf32, #tpu.memory_space<hbm>>
      %dma_start3A_123 = tpu.memref_squeeze %dma_start3A_122 : memref<1x256x64xf32, #tpu.memory_space<hbm>> -> memref<256x64xf32, #tpu.memory_space<hbm>>
      tpu.enqueue_dma source(%dma_start3A_123 : memref<256x64xf32, #tpu.memory_space<hbm>>) target(%arg13 : memref<256x64xf32, #tpu.memory_space<vmem>>) target_semaphore(%run_scoped3A : memref<!tpu.dma_semaphore, #tpu.memory_space<semaphore_mem>>)
      %dma_wait3A = arith.constant 0 : i32
      %dma_wait3A_124 = tpu.memref_slice %arg3[%select_n3A, %add3A_92, %dma_wait3A] : memref<16x4096x64xf32, #tpu.memory_space<hbm>> -> memref<1x256x64xf32, #tpu.memory_space<hbm>>
      %dma_wait3A_125 = tpu.memref_squeeze %dma_wait3A_124 : memref<1x256x64xf32, #tpu.memory_space<hbm>> -> memref<256x64xf32, #tpu.memory_space<hbm>>
      %dma_wait3A_126 = arith.constant 0 : i32
      %dma_wait3A_127 = tpu.memref_slice %arg3[%select_n3A, %add3A_92, %dma_wait3A_126] : memref<16x4096x64xf32, #tpu.memory_space<hbm>> -> memref<1x256x64xf32, #tpu.memory_space<hbm>>
      %dma_wait3A_128 = tpu.memref_squeeze %dma_wait3A_127 : memref<1x256x64xf32, #tpu.memory_space<hbm>> -> memref<256x64xf32, #tpu.memory_space<hbm>>
      tpu.wait_dma2 semaphore(%run_scoped3A : memref<!tpu.dma_semaphore, #tpu.memory_space<semaphore_mem>>) src(%dma_wait3A_128 : memref<256x64xf32, #tpu.memory_space<hbm>>) dst(%arg13 : memref<256x64xf32, #tpu.memory_space<vmem>>)
      tpu.yield
    }) : () -> ()
    %scan3A_93 = arith.constant 0 : i32
    %scan3A_94 = arith.constant 0 : i32
    %scan3A_95 = arith.constant 16 : i32
    %scan3A_96 = arith.addi %scan3A_94, %scan3A_95 : i32
    %scan3A_97 = arith.constant 1 : i32
    scf.for %scan3A_119 = %scan3A_94 to %scan3A_96 step %scan3A_97  : i32 {
      %mul3A_120 = arith.constant 16 : i32
      %mul3A_121 = arith.muli %scan3A_119, %mul3A_120 : i32
      %add3A_122 = vector.broadcast %mul3A_121 : i32 to vector<16xi32>
      %add3A_123 = arith.addi %iota3A, %add3A_122 : vector<16xi32>
      %broadcast_in_dim3A = arith.constant 0.000000e+00 : f32
      %broadcast_in_dim3A_124 = vector.broadcast %broadcast_in_dim3A : f32 to vector<16xf32>
      %scan3A_125 = arith.constant 0 : i32
      %scan3A_126 = arith.constant 64 : i32
      %scan3A_127 = arith.addi %scan3A_125, %scan3A_126 : i32
      %scan3A_128 = arith.constant 1 : i32
      %scan3A_129 = scf.for %scan3A_137 = %scan3A_125 to %scan3A_127 step %scan3A_128 iter_args(%scan3A_138 = %broadcast_in_dim3A_124) -> (vector<16xf32>)  : i32 {
        %broadcast_in_dim3A_139 = vector.broadcast %scan3A_137 : i32 to vector<16xi32>
        %gather3A_140 = tpu.vector_load_idx %arg12[%add3A_123, %broadcast_in_dim3A_139] : memref<256x64xi32, #tpu.memory_space<vmem>>[vector<16xi32>, vector<16xi32>], vector<16xi32>,
        %gather3A_141 = tpu.vector_load_idx %arg13[%add3A_123, %broadcast_in_dim3A_139] : memref<256x64xf32, #tpu.memory_space<vmem>>[vector<16xi32>, vector<16xi32>], vector<16xf32>,
        %jit3A_142 = arith.constant 0 : i32
        %jit3A_143 = arith.constant 4095 : i32
        %max3A = vector.broadcast %jit3A_142 : i32 to vector<16xi32>
        %max3A_144 = arith.maxsi %max3A, %gather3A_140 : vector<16xi32>
        %min3A = vector.broadcast %jit3A_143 : i32 to vector<16xi32>
        %min3A_145 = arith.minsi %min3A, %max3A_144 : vector<16xi32>
        %gather3A_146 = tpu.vector_load_idx %arg11[%min3A_145] : memref<4096xf32, #tpu.memory_space<vmem>>[vector<16xi32>], vector<16xf32>,
        %min3A_147 = arith.constant 1.000000e+01 : f32
        %min3A_148 = vector.broadcast %min3A_147 : f32 to vector<16xf32>
        %min3A_149 = arith.minimumf %gather3A_141, %min3A_148 : vector<16xf32>
        %sub3A_150 = arith.subf %min3A_149, %get3A_36 : vector<16xf32>
        %mul3A_151 = arith.mulf %sub3A_150, %sub3A_150 : vector<16xf32>
        %neg3A = arith.constant 0.000000e+00 : f32
        %neg3A_152 = vector.broadcast %neg3A : f32 to vector<16xf32>
        %neg3A_153 = arith.subf %neg3A_152, %mul3A_151 : vector<16xf32>
        %mul3A_154 = arith.mulf %neg3A_153, %get3A_38 : vector<16xf32>
        %exp3A = math.exp %mul3A_154 : vector<16xf32>
        %lt3A_155 = arith.constant 9.99989986 : f32
        %lt3A_156 = vector.broadcast %lt3A_155 : f32 to vector<16xf32>
        %lt3A_157 = arith.cmpf olt, %gather3A_141, %lt3A_156 : vector<16xf32>
        %jit3A_158 = arith.constant 0.000000e+00 : f32
        %broadcast_in_dim3A_159 = vector.broadcast %jit3A_158 : f32 to vector<16xf32>
        %select_n3A_160 = arith.select %lt3A_157, %exp3A, %broadcast_in_dim3A_159 : vector<16xi1>, vector<16xf32>
        %mul3A_161 = arith.mulf %gather3A_146, %select_n3A_160 : vector<16xf32>
        %add3A_162 = arith.addf %scan3A_138, %mul3A_161 : vector<16xf32>
        scf.yield %add3A_162 : vector<16xf32>
      }
      %scan3A_130 = arith.constant 64 : i32
      %add3A_131 = vector.broadcast %add3A_92 : i32 to vector<16xi32>
      %add3A_132 = arith.addi %add3A_123, %add3A_131 : vector<16xi32>
      %gather3A = tpu.vector_load_idx %arg11[%add3A_132] : memref<4096xf32, #tpu.memory_space<vmem>>[vector<16xi32>], vector<16xf32>,
      %mul3A_133 = arith.mulf %gather3A, %scan3A_129 : vector<16xf32>
      %mul3A_134 = arith.constant 16 : i32
      %mul3A_135 = arith.muli %scan3A_119, %mul3A_134 : i32
      %swap3A = arith.index_cast %mul3A_135 : i32 to index
      %swap3A_136 = tpu.vector_load %arg14[%swap3A] {strides = array<i32>} : memref<256xf32, #tpu.memory_space<vmem>>, vector<16xf32>,
      tpu.vector_store %arg14[%swap3A], %mul3A_133 {strides = array<i32>} : memref<256xf32, #tpu.memory_space<vmem>>, vector<16xf32>,
    }
    %scan3A_98 = arith.constant 16 : i32
    "tpu.region"() ({
      %run_scoped3A = tpu.sem_alloc : memref<!tpu.dma_semaphore, #tpu.memory_space<semaphore_mem>>
      %dma_start3A = tpu.memref_slice %arg7[%select_n3A, %add3A_92] : memref<16x4096xf32, #tpu.memory_space<hbm>> -> memref<1x256xf32, #tpu.memory_space<hbm>>
      %dma_start3A_119 = tpu.memref_squeeze %dma_start3A : memref<1x256xf32, #tpu.memory_space<hbm>> -> memref<256xf32, #tpu.memory_space<hbm>>
      %dma_start3A_120 = tpu.memref_slice %arg7[%select_n3A, %add3A_92] : memref<16x4096xf32, #tpu.memory_space<hbm>> -> memref<1x256xf32, #tpu.memory_space<hbm>>
      %dma_start3A_121 = tpu.memref_squeeze %dma_start3A_120 : memref<1x256xf32, #tpu.memory_space<hbm>> -> memref<256xf32, #tpu.memory_space<hbm>>
      tpu.enqueue_dma source(%arg14 : memref<256xf32, #tpu.memory_space<vmem>>) target(%dma_start3A_121 : memref<256xf32, #tpu.memory_space<hbm>>) target_semaphore(%run_scoped3A : memref<!tpu.dma_semaphore, #tpu.memory_space<semaphore_mem>>)
      %dma_wait3A = tpu.memref_slice %arg7[%select_n3A, %add3A_92] : memref<16x4096xf32, #tpu.memory_space<hbm>> -> memref<1x256xf32, #tpu.memory_space<hbm>>
      %dma_wait3A_122 = tpu.memref_squeeze %dma_wait3A : memref<1x256xf32, #tpu.memory_space<hbm>> -> memref<256xf32, #tpu.memory_space<hbm>>
      %dma_wait3A_123 = tpu.memref_slice %arg7[%select_n3A, %add3A_92] : memref<16x4096xf32, #tpu.memory_space<hbm>> -> memref<1x256xf32, #tpu.memory_space<hbm>>
      %dma_wait3A_124 = tpu.memref_squeeze %dma_wait3A_123 : memref<1x256xf32, #tpu.memory_space<hbm>> -> memref<256xf32, #tpu.memory_space<hbm>>
      tpu.wait_dma2 semaphore(%run_scoped3A : memref<!tpu.dma_semaphore, #tpu.memory_space<semaphore_mem>>) src(%arg14 : memref<256xf32, #tpu.memory_space<vmem>>) dst(%dma_wait3A_124 : memref<256xf32, #tpu.memory_space<hbm>>)
      tpu.yield
    }) : () -> ()
    %mul3A_99 = arith.constant 2048 : i32
    %mul3A_100 = arith.muli %select_n3A_30, %mul3A_99 : i32
    %add3A_101 = arith.constant 1536 : i32
    %add3A_102 = arith.addi %mul3A_100, %add3A_101 : i32
    "tpu.region"() ({
      %run_scoped3A = tpu.sem_alloc : memref<!tpu.dma_semaphore, #tpu.memory_space<semaphore_mem>>
      %dma_start3A = arith.constant 0 : i32
      %dma_start3A_119 = tpu.memref_slice %arg4[%select_n3A, %add3A_102, %dma_start3A] : memref<16x4096x64xi32, #tpu.memory_space<hbm>> -> memref<1x256x64xi32, #tpu.memory_space<hbm>>
      %dma_start3A_120 = tpu.memref_squeeze %dma_start3A_119 : memref<1x256x64xi32, #tpu.memory_space<hbm>> -> memref<256x64xi32, #tpu.memory_space<hbm>>
      %dma_start3A_121 = arith.constant 0 : i32
      %dma_start3A_122 = tpu.memref_slice %arg4[%select_n3A, %add3A_102, %dma_start3A_121] : memref<16x4096x64xi32, #tpu.memory_space<hbm>> -> memref<1x256x64xi32, #tpu.memory_space<hbm>>
      %dma_start3A_123 = tpu.memref_squeeze %dma_start3A_122 : memref<1x256x64xi32, #tpu.memory_space<hbm>> -> memref<256x64xi32, #tpu.memory_space<hbm>>
      tpu.enqueue_dma source(%dma_start3A_123 : memref<256x64xi32, #tpu.memory_space<hbm>>) target(%arg12 : memref<256x64xi32, #tpu.memory_space<vmem>>) target_semaphore(%run_scoped3A : memref<!tpu.dma_semaphore, #tpu.memory_space<semaphore_mem>>)
      %dma_wait3A = arith.constant 0 : i32
      %dma_wait3A_124 = tpu.memref_slice %arg4[%select_n3A, %add3A_102, %dma_wait3A] : memref<16x4096x64xi32, #tpu.memory_space<hbm>> -> memref<1x256x64xi32, #tpu.memory_space<hbm>>
      %dma_wait3A_125 = tpu.memref_squeeze %dma_wait3A_124 : memref<1x256x64xi32, #tpu.memory_space<hbm>> -> memref<256x64xi32, #tpu.memory_space<hbm>>
      %dma_wait3A_126 = arith.constant 0 : i32
      %dma_wait3A_127 = tpu.memref_slice %arg4[%select_n3A, %add3A_102, %dma_wait3A_126] : memref<16x4096x64xi32, #tpu.memory_space<hbm>> -> memref<1x256x64xi32, #tpu.memory_space<hbm>>
      %dma_wait3A_128 = tpu.memref_squeeze %dma_wait3A_127 : memref<1x256x64xi32, #tpu.memory_space<hbm>> -> memref<256x64xi32, #tpu.memory_space<hbm>>
      tpu.wait_dma2 semaphore(%run_scoped3A : memref<!tpu.dma_semaphore, #tpu.memory_space<semaphore_mem>>) src(%dma_wait3A_128 : memref<256x64xi32, #tpu.memory_space<hbm>>) dst(%arg12 : memref<256x64xi32, #tpu.memory_space<vmem>>)
      tpu.yield
    }) : () -> ()
    "tpu.region"() ({
      %run_scoped3A = tpu.sem_alloc : memref<!tpu.dma_semaphore, #tpu.memory_space<semaphore_mem>>
      %dma_start3A = arith.constant 0 : i32
      %dma_start3A_119 = tpu.memref_slice %arg3[%select_n3A, %add3A_102, %dma_start3A] : memref<16x4096x64xf32, #tpu.memory_space<hbm>> -> memref<1x256x64xf32, #tpu.memory_space<hbm>>
      %dma_start3A_120 = tpu.memref_squeeze %dma_start3A_119 : memref<1x256x64xf32, #tpu.memory_space<hbm>> -> memref<256x64xf32, #tpu.memory_space<hbm>>
      %dma_start3A_121 = arith.constant 0 : i32
      %dma_start3A_122 = tpu.memref_slice %arg3[%select_n3A, %add3A_102, %dma_start3A_121] : memref<16x4096x64xf32, #tpu.memory_space<hbm>> -> memref<1x256x64xf32, #tpu.memory_space<hbm>>
      %dma_start3A_123 = tpu.memref_squeeze %dma_start3A_122 : memref<1x256x64xf32, #tpu.memory_space<hbm>> -> memref<256x64xf32, #tpu.memory_space<hbm>>
      tpu.enqueue_dma source(%dma_start3A_123 : memref<256x64xf32, #tpu.memory_space<hbm>>) target(%arg13 : memref<256x64xf32, #tpu.memory_space<vmem>>) target_semaphore(%run_scoped3A : memref<!tpu.dma_semaphore, #tpu.memory_space<semaphore_mem>>)
      %dma_wait3A = arith.constant 0 : i32
      %dma_wait3A_124 = tpu.memref_slice %arg3[%select_n3A, %add3A_102, %dma_wait3A] : memref<16x4096x64xf32, #tpu.memory_space<hbm>> -> memref<1x256x64xf32, #tpu.memory_space<hbm>>
      %dma_wait3A_125 = tpu.memref_squeeze %dma_wait3A_124 : memref<1x256x64xf32, #tpu.memory_space<hbm>> -> memref<256x64xf32, #tpu.memory_space<hbm>>
      %dma_wait3A_126 = arith.constant 0 : i32
      %dma_wait3A_127 = tpu.memref_slice %arg3[%select_n3A, %add3A_102, %dma_wait3A_126] : memref<16x4096x64xf32, #tpu.memory_space<hbm>> -> memref<1x256x64xf32, #tpu.memory_space<hbm>>
      %dma_wait3A_128 = tpu.memref_squeeze %dma_wait3A_127 : memref<1x256x64xf32, #tpu.memory_space<hbm>> -> memref<256x64xf32, #tpu.memory_space<hbm>>
      tpu.wait_dma2 semaphore(%run_scoped3A : memref<!tpu.dma_semaphore, #tpu.memory_space<semaphore_mem>>) src(%dma_wait3A_128 : memref<256x64xf32, #tpu.memory_space<hbm>>) dst(%arg13 : memref<256x64xf32, #tpu.memory_space<vmem>>)
      tpu.yield
    }) : () -> ()
    %scan3A_103 = arith.constant 0 : i32
    %scan3A_104 = arith.constant 0 : i32
    %scan3A_105 = arith.constant 16 : i32
    %scan3A_106 = arith.addi %scan3A_104, %scan3A_105 : i32
    %scan3A_107 = arith.constant 1 : i32
    scf.for %scan3A_119 = %scan3A_104 to %scan3A_106 step %scan3A_107  : i32 {
      %mul3A_120 = arith.constant 16 : i32
      %mul3A_121 = arith.muli %scan3A_119, %mul3A_120 : i32
      %add3A_122 = vector.broadcast %mul3A_121 : i32 to vector<16xi32>
      %add3A_123 = arith.addi %iota3A, %add3A_122 : vector<16xi32>
      %broadcast_in_dim3A = arith.constant 0.000000e+00 : f32
      %broadcast_in_dim3A_124 = vector.broadcast %broadcast_in_dim3A : f32 to vector<16xf32>
      %scan3A_125 = arith.constant 0 : i32
      %scan3A_126 = arith.constant 64 : i32
      %scan3A_127 = arith.addi %scan3A_125, %scan3A_126 : i32
      %scan3A_128 = arith.constant 1 : i32
      %scan3A_129 = scf.for %scan3A_137 = %scan3A_125 to %scan3A_127 step %scan3A_128 iter_args(%scan3A_138 = %broadcast_in_dim3A_124) -> (vector<16xf32>)  : i32 {
        %broadcast_in_dim3A_139 = vector.broadcast %scan3A_137 : i32 to vector<16xi32>
        %gather3A_140 = tpu.vector_load_idx %arg12[%add3A_123, %broadcast_in_dim3A_139] : memref<256x64xi32, #tpu.memory_space<vmem>>[vector<16xi32>, vector<16xi32>], vector<16xi32>,
        %gather3A_141 = tpu.vector_load_idx %arg13[%add3A_123, %broadcast_in_dim3A_139] : memref<256x64xf32, #tpu.memory_space<vmem>>[vector<16xi32>, vector<16xi32>], vector<16xf32>,
        %jit3A_142 = arith.constant 0 : i32
        %jit3A_143 = arith.constant 4095 : i32
        %max3A = vector.broadcast %jit3A_142 : i32 to vector<16xi32>
        %max3A_144 = arith.maxsi %max3A, %gather3A_140 : vector<16xi32>
        %min3A = vector.broadcast %jit3A_143 : i32 to vector<16xi32>
        %min3A_145 = arith.minsi %min3A, %max3A_144 : vector<16xi32>
        %gather3A_146 = tpu.vector_load_idx %arg11[%min3A_145] : memref<4096xf32, #tpu.memory_space<vmem>>[vector<16xi32>], vector<16xf32>,
        %min3A_147 = arith.constant 1.000000e+01 : f32
        %min3A_148 = vector.broadcast %min3A_147 : f32 to vector<16xf32>
        %min3A_149 = arith.minimumf %gather3A_141, %min3A_148 : vector<16xf32>
        %sub3A_150 = arith.subf %min3A_149, %get3A_36 : vector<16xf32>
        %mul3A_151 = arith.mulf %sub3A_150, %sub3A_150 : vector<16xf32>
        %neg3A = arith.constant 0.000000e+00 : f32
        %neg3A_152 = vector.broadcast %neg3A : f32 to vector<16xf32>
        %neg3A_153 = arith.subf %neg3A_152, %mul3A_151 : vector<16xf32>
        %mul3A_154 = arith.mulf %neg3A_153, %get3A_38 : vector<16xf32>
        %exp3A = math.exp %mul3A_154 : vector<16xf32>
        %lt3A_155 = arith.constant 9.99989986 : f32
        %lt3A_156 = vector.broadcast %lt3A_155 : f32 to vector<16xf32>
        %lt3A_157 = arith.cmpf olt, %gather3A_141, %lt3A_156 : vector<16xf32>
        %jit3A_158 = arith.constant 0.000000e+00 : f32
        %broadcast_in_dim3A_159 = vector.broadcast %jit3A_158 : f32 to vector<16xf32>
        %select_n3A_160 = arith.select %lt3A_157, %exp3A, %broadcast_in_dim3A_159 : vector<16xi1>, vector<16xf32>
        %mul3A_161 = arith.mulf %gather3A_146, %select_n3A_160 : vector<16xf32>
        %add3A_162 = arith.addf %scan3A_138, %mul3A_161 : vector<16xf32>
        scf.yield %add3A_162 : vector<16xf32>
      }
      %scan3A_130 = arith.constant 64 : i32
      %add3A_131 = vector.broadcast %add3A_102 : i32 to vector<16xi32>
      %add3A_132 = arith.addi %add3A_123, %add3A_131 : vector<16xi32>
      %gather3A = tpu.vector_load_idx %arg11[%add3A_132] : memref<4096xf32, #tpu.memory_space<vmem>>[vector<16xi32>], vector<16xf32>,
      %mul3A_133 = arith.mulf %gather3A, %scan3A_129 : vector<16xf32>
      %mul3A_134 = arith.constant 16 : i32
      %mul3A_135 = arith.muli %scan3A_119, %mul3A_134 : i32
      %swap3A = arith.index_cast %mul3A_135 : i32 to index
      %swap3A_136 = tpu.vector_load %arg14[%swap3A] {strides = array<i32>} : memref<256xf32, #tpu.memory_space<vmem>>, vector<16xf32>,
      tpu.vector_store %arg14[%swap3A], %mul3A_133 {strides = array<i32>} : memref<256xf32, #tpu.memory_space<vmem>>, vector<16xf32>,
    }
    %scan3A_108 = arith.constant 16 : i32
    "tpu.region"() ({
      %run_scoped3A = tpu.sem_alloc : memref<!tpu.dma_semaphore, #tpu.memory_space<semaphore_mem>>
      %dma_start3A = tpu.memref_slice %arg7[%select_n3A, %add3A_102] : memref<16x4096xf32, #tpu.memory_space<hbm>> -> memref<1x256xf32, #tpu.memory_space<hbm>>
      %dma_start3A_119 = tpu.memref_squeeze %dma_start3A : memref<1x256xf32, #tpu.memory_space<hbm>> -> memref<256xf32, #tpu.memory_space<hbm>>
      %dma_start3A_120 = tpu.memref_slice %arg7[%select_n3A, %add3A_102] : memref<16x4096xf32, #tpu.memory_space<hbm>> -> memref<1x256xf32, #tpu.memory_space<hbm>>
      %dma_start3A_121 = tpu.memref_squeeze %dma_start3A_120 : memref<1x256xf32, #tpu.memory_space<hbm>> -> memref<256xf32, #tpu.memory_space<hbm>>
      tpu.enqueue_dma source(%arg14 : memref<256xf32, #tpu.memory_space<vmem>>) target(%dma_start3A_121 : memref<256xf32, #tpu.memory_space<hbm>>) target_semaphore(%run_scoped3A : memref<!tpu.dma_semaphore, #tpu.memory_space<semaphore_mem>>)
      %dma_wait3A = tpu.memref_slice %arg7[%select_n3A, %add3A_102] : memref<16x4096xf32, #tpu.memory_space<hbm>> -> memref<1x256xf32, #tpu.memory_space<hbm>>
      %dma_wait3A_122 = tpu.memref_squeeze %dma_wait3A : memref<1x256xf32, #tpu.memory_space<hbm>> -> memref<256xf32, #tpu.memory_space<hbm>>
      %dma_wait3A_123 = tpu.memref_slice %arg7[%select_n3A, %add3A_102] : memref<16x4096xf32, #tpu.memory_space<hbm>> -> memref<1x256xf32, #tpu.memory_space<hbm>>
      %dma_wait3A_124 = tpu.memref_squeeze %dma_wait3A_123 : memref<1x256xf32, #tpu.memory_space<hbm>> -> memref<256xf32, #tpu.memory_space<hbm>>
      tpu.wait_dma2 semaphore(%run_scoped3A : memref<!tpu.dma_semaphore, #tpu.memory_space<semaphore_mem>>) src(%arg14 : memref<256xf32, #tpu.memory_space<vmem>>) dst(%dma_wait3A_124 : memref<256xf32, #tpu.memory_space<hbm>>)
      tpu.yield
    }) : () -> ()
    %mul3A_109 = arith.constant 2048 : i32
    %mul3A_110 = arith.muli %select_n3A_30, %mul3A_109 : i32
    %add3A_111 = arith.constant 1792 : i32
    %add3A_112 = arith.addi %mul3A_110, %add3A_111 : i32
    "tpu.region"() ({
      %run_scoped3A = tpu.sem_alloc : memref<!tpu.dma_semaphore, #tpu.memory_space<semaphore_mem>>
      %dma_start3A = arith.constant 0 : i32
      %dma_start3A_119 = tpu.memref_slice %arg4[%select_n3A, %add3A_112, %dma_start3A] : memref<16x4096x64xi32, #tpu.memory_space<hbm>> -> memref<1x256x64xi32, #tpu.memory_space<hbm>>
      %dma_start3A_120 = tpu.memref_squeeze %dma_start3A_119 : memref<1x256x64xi32, #tpu.memory_space<hbm>> -> memref<256x64xi32, #tpu.memory_space<hbm>>
      %dma_start3A_121 = arith.constant 0 : i32
      %dma_start3A_122 = tpu.memref_slice %arg4[%select_n3A, %add3A_112, %dma_start3A_121] : memref<16x4096x64xi32, #tpu.memory_space<hbm>> -> memref<1x256x64xi32, #tpu.memory_space<hbm>>
      %dma_start3A_123 = tpu.memref_squeeze %dma_start3A_122 : memref<1x256x64xi32, #tpu.memory_space<hbm>> -> memref<256x64xi32, #tpu.memory_space<hbm>>
      tpu.enqueue_dma source(%dma_start3A_123 : memref<256x64xi32, #tpu.memory_space<hbm>>) target(%arg12 : memref<256x64xi32, #tpu.memory_space<vmem>>) target_semaphore(%run_scoped3A : memref<!tpu.dma_semaphore, #tpu.memory_space<semaphore_mem>>)
      %dma_wait3A = arith.constant 0 : i32
      %dma_wait3A_124 = tpu.memref_slice %arg4[%select_n3A, %add3A_112, %dma_wait3A] : memref<16x4096x64xi32, #tpu.memory_space<hbm>> -> memref<1x256x64xi32, #tpu.memory_space<hbm>>
      %dma_wait3A_125 = tpu.memref_squeeze %dma_wait3A_124 : memref<1x256x64xi32, #tpu.memory_space<hbm>> -> memref<256x64xi32, #tpu.memory_space<hbm>>
      %dma_wait3A_126 = arith.constant 0 : i32
      %dma_wait3A_127 = tpu.memref_slice %arg4[%select_n3A, %add3A_112, %dma_wait3A_126] : memref<16x4096x64xi32, #tpu.memory_space<hbm>> -> memref<1x256x64xi32, #tpu.memory_space<hbm>>
      %dma_wait3A_128 = tpu.memref_squeeze %dma_wait3A_127 : memref<1x256x64xi32, #tpu.memory_space<hbm>> -> memref<256x64xi32, #tpu.memory_space<hbm>>
      tpu.wait_dma2 semaphore(%run_scoped3A : memref<!tpu.dma_semaphore, #tpu.memory_space<semaphore_mem>>) src(%dma_wait3A_128 : memref<256x64xi32, #tpu.memory_space<hbm>>) dst(%arg12 : memref<256x64xi32, #tpu.memory_space<vmem>>)
      tpu.yield
    }) : () -> ()
    "tpu.region"() ({
      %run_scoped3A = tpu.sem_alloc : memref<!tpu.dma_semaphore, #tpu.memory_space<semaphore_mem>>
      %dma_start3A = arith.constant 0 : i32
      %dma_start3A_119 = tpu.memref_slice %arg3[%select_n3A, %add3A_112, %dma_start3A] : memref<16x4096x64xf32, #tpu.memory_space<hbm>> -> memref<1x256x64xf32, #tpu.memory_space<hbm>>
      %dma_start3A_120 = tpu.memref_squeeze %dma_start3A_119 : memref<1x256x64xf32, #tpu.memory_space<hbm>> -> memref<256x64xf32, #tpu.memory_space<hbm>>
      %dma_start3A_121 = arith.constant 0 : i32
      %dma_start3A_122 = tpu.memref_slice %arg3[%select_n3A, %add3A_112, %dma_start3A_121] : memref<16x4096x64xf32, #tpu.memory_space<hbm>> -> memref<1x256x64xf32, #tpu.memory_space<hbm>>
      %dma_start3A_123 = tpu.memref_squeeze %dma_start3A_122 : memref<1x256x64xf32, #tpu.memory_space<hbm>> -> memref<256x64xf32, #tpu.memory_space<hbm>>
      tpu.enqueue_dma source(%dma_start3A_123 : memref<256x64xf32, #tpu.memory_space<hbm>>) target(%arg13 : memref<256x64xf32, #tpu.memory_space<vmem>>) target_semaphore(%run_scoped3A : memref<!tpu.dma_semaphore, #tpu.memory_space<semaphore_mem>>)
      %dma_wait3A = arith.constant 0 : i32
      %dma_wait3A_124 = tpu.memref_slice %arg3[%select_n3A, %add3A_112, %dma_wait3A] : memref<16x4096x64xf32, #tpu.memory_space<hbm>> -> memref<1x256x64xf32, #tpu.memory_space<hbm>>
      %dma_wait3A_125 = tpu.memref_squeeze %dma_wait3A_124 : memref<1x256x64xf32, #tpu.memory_space<hbm>> -> memref<256x64xf32, #tpu.memory_space<hbm>>
      %dma_wait3A_126 = arith.constant 0 : i32
      %dma_wait3A_127 = tpu.memref_slice %arg3[%select_n3A, %add3A_112, %dma_wait3A_126] : memref<16x4096x64xf32, #tpu.memory_space<hbm>> -> memref<1x256x64xf32, #tpu.memory_space<hbm>>
      %dma_wait3A_128 = tpu.memref_squeeze %dma_wait3A_127 : memref<1x256x64xf32, #tpu.memory_space<hbm>> -> memref<256x64xf32, #tpu.memory_space<hbm>>
      tpu.wait_dma2 semaphore(%run_scoped3A : memref<!tpu.dma_semaphore, #tpu.memory_space<semaphore_mem>>) src(%dma_wait3A_128 : memref<256x64xf32, #tpu.memory_space<hbm>>) dst(%arg13 : memref<256x64xf32, #tpu.memory_space<vmem>>)
      tpu.yield
    }) : () -> ()
    %scan3A_113 = arith.constant 0 : i32
    %scan3A_114 = arith.constant 0 : i32
    %scan3A_115 = arith.constant 16 : i32
    %scan3A_116 = arith.addi %scan3A_114, %scan3A_115 : i32
    %scan3A_117 = arith.constant 1 : i32
    scf.for %scan3A_119 = %scan3A_114 to %scan3A_116 step %scan3A_117  : i32 {
      %mul3A_120 = arith.constant 16 : i32
      %mul3A_121 = arith.muli %scan3A_119, %mul3A_120 : i32
      %add3A_122 = vector.broadcast %mul3A_121 : i32 to vector<16xi32>
      %add3A_123 = arith.addi %iota3A, %add3A_122 : vector<16xi32>
      %broadcast_in_dim3A = arith.constant 0.000000e+00 : f32
      %broadcast_in_dim3A_124 = vector.broadcast %broadcast_in_dim3A : f32 to vector<16xf32>
      %scan3A_125 = arith.constant 0 : i32
      %scan3A_126 = arith.constant 64 : i32
      %scan3A_127 = arith.addi %scan3A_125, %scan3A_126 : i32
      %scan3A_128 = arith.constant 1 : i32
      %scan3A_129 = scf.for %scan3A_137 = %scan3A_125 to %scan3A_127 step %scan3A_128 iter_args(%scan3A_138 = %broadcast_in_dim3A_124) -> (vector<16xf32>)  : i32 {
        %broadcast_in_dim3A_139 = vector.broadcast %scan3A_137 : i32 to vector<16xi32>
        %gather3A_140 = tpu.vector_load_idx %arg12[%add3A_123, %broadcast_in_dim3A_139] : memref<256x64xi32, #tpu.memory_space<vmem>>[vector<16xi32>, vector<16xi32>], vector<16xi32>,
        %gather3A_141 = tpu.vector_load_idx %arg13[%add3A_123, %broadcast_in_dim3A_139] : memref<256x64xf32, #tpu.memory_space<vmem>>[vector<16xi32>, vector<16xi32>], vector<16xf32>,
        %jit3A_142 = arith.constant 0 : i32
        %jit3A_143 = arith.constant 4095 : i32
        %max3A = vector.broadcast %jit3A_142 : i32 to vector<16xi32>
        %max3A_144 = arith.maxsi %max3A, %gather3A_140 : vector<16xi32>
        %min3A = vector.broadcast %jit3A_143 : i32 to vector<16xi32>
        %min3A_145 = arith.minsi %min3A, %max3A_144 : vector<16xi32>
        %gather3A_146 = tpu.vector_load_idx %arg11[%min3A_145] : memref<4096xf32, #tpu.memory_space<vmem>>[vector<16xi32>], vector<16xf32>,
        %min3A_147 = arith.constant 1.000000e+01 : f32
        %min3A_148 = vector.broadcast %min3A_147 : f32 to vector<16xf32>
        %min3A_149 = arith.minimumf %gather3A_141, %min3A_148 : vector<16xf32>
        %sub3A_150 = arith.subf %min3A_149, %get3A_36 : vector<16xf32>
        %mul3A_151 = arith.mulf %sub3A_150, %sub3A_150 : vector<16xf32>
        %neg3A = arith.constant 0.000000e+00 : f32
        %neg3A_152 = vector.broadcast %neg3A : f32 to vector<16xf32>
        %neg3A_153 = arith.subf %neg3A_152, %mul3A_151 : vector<16xf32>
        %mul3A_154 = arith.mulf %neg3A_153, %get3A_38 : vector<16xf32>
        %exp3A = math.exp %mul3A_154 : vector<16xf32>
        %lt3A_155 = arith.constant 9.99989986 : f32
        %lt3A_156 = vector.broadcast %lt3A_155 : f32 to vector<16xf32>
        %lt3A_157 = arith.cmpf olt, %gather3A_141, %lt3A_156 : vector<16xf32>
        %jit3A_158 = arith.constant 0.000000e+00 : f32
        %broadcast_in_dim3A_159 = vector.broadcast %jit3A_158 : f32 to vector<16xf32>
        %select_n3A_160 = arith.select %lt3A_157, %exp3A, %broadcast_in_dim3A_159 : vector<16xi1>, vector<16xf32>
        %mul3A_161 = arith.mulf %gather3A_146, %select_n3A_160 : vector<16xf32>
        %add3A_162 = arith.addf %scan3A_138, %mul3A_161 : vector<16xf32>
        scf.yield %add3A_162 : vector<16xf32>
      }
      %scan3A_130 = arith.constant 64 : i32
      %add3A_131 = vector.broadcast %add3A_112 : i32 to vector<16xi32>
      %add3A_132 = arith.addi %add3A_123, %add3A_131 : vector<16xi32>
      %gather3A = tpu.vector_load_idx %arg11[%add3A_132] : memref<4096xf32, #tpu.memory_space<vmem>>[vector<16xi32>], vector<16xf32>,
      %mul3A_133 = arith.mulf %gather3A, %scan3A_129 : vector<16xf32>
      %mul3A_134 = arith.constant 16 : i32
      %mul3A_135 = arith.muli %scan3A_119, %mul3A_134 : i32
      %swap3A = arith.index_cast %mul3A_135 : i32 to index
      %swap3A_136 = tpu.vector_load %arg14[%swap3A] {strides = array<i32>} : memref<256xf32, #tpu.memory_space<vmem>>, vector<16xf32>,
      tpu.vector_store %arg14[%swap3A], %mul3A_133 {strides = array<i32>} : memref<256xf32, #tpu.memory_space<vmem>>, vector<16xf32>,
    }
    %scan3A_118 = arith.constant 16 : i32
    "tpu.region"() ({
      %run_scoped3A = tpu.sem_alloc : memref<!tpu.dma_semaphore, #tpu.memory_space<semaphore_mem>>
      %dma_start3A = tpu.memref_slice %arg7[%select_n3A, %add3A_112] : memref<16x4096xf32, #tpu.memory_space<hbm>> -> memref<1x256xf32, #tpu.memory_space<hbm>>
      %dma_start3A_119 = tpu.memref_squeeze %dma_start3A : memref<1x256xf32, #tpu.memory_space<hbm>> -> memref<256xf32, #tpu.memory_space<hbm>>
      %dma_start3A_120 = tpu.memref_slice %arg7[%select_n3A, %add3A_112] : memref<16x4096xf32, #tpu.memory_space<hbm>> -> memref<1x256xf32, #tpu.memory_space<hbm>>
      %dma_start3A_121 = tpu.memref_squeeze %dma_start3A_120 : memref<1x256xf32, #tpu.memory_space<hbm>> -> memref<256xf32, #tpu.memory_space<hbm>>
      tpu.enqueue_dma source(%arg14 : memref<256xf32, #tpu.memory_space<vmem>>) target(%dma_start3A_121 : memref<256xf32, #tpu.memory_space<hbm>>) target_semaphore(%run_scoped3A : memref<!tpu.dma_semaphore, #tpu.memory_space<semaphore_mem>>)
      %dma_wait3A = tpu.memref_slice %arg7[%select_n3A, %add3A_112] : memref<16x4096xf32, #tpu.memory_space<hbm>> -> memref<1x256xf32, #tpu.memory_space<hbm>>
      %dma_wait3A_122 = tpu.memref_squeeze %dma_wait3A : memref<1x256xf32, #tpu.memory_space<hbm>> -> memref<256xf32, #tpu.memory_space<hbm>>
      %dma_wait3A_123 = tpu.memref_slice %arg7[%select_n3A, %add3A_112] : memref<16x4096xf32, #tpu.memory_space<hbm>> -> memref<1x256xf32, #tpu.memory_space<hbm>>
      %dma_wait3A_124 = tpu.memref_squeeze %dma_wait3A_123 : memref<1x256xf32, #tpu.memory_space<hbm>> -> memref<256xf32, #tpu.memory_space<hbm>>
      tpu.wait_dma2 semaphore(%run_scoped3A : memref<!tpu.dma_semaphore, #tpu.memory_space<semaphore_mem>>) src(%arg14 : memref<256xf32, #tpu.memory_space<vmem>>) dst(%dma_wait3A_124 : memref<256xf32, #tpu.memory_space<hbm>>)
      tpu.yield
    }) : () -> ()
    return
  }
}

</mosaic_0001>

<sc_bundles>
// kernel: kernel.3.cloned.1.call-start
scs
__scs_entry_jumppad:
0x0: {  	(pc) =	sbr.rel $0x88, $3  }
0x1: {  	(tag) =	ssettag $0x0;
	lr =	simm.s32 $0x1  }
0x2: {  	[smem:$0x3F9B] =	sst lr;
	_ =	strace $0xD0000000  }
0x3: {  	_ = 	snop  }
0x4: {  	_ = 	snop  }
0x5: {  	_ = 	snop  }
0x6: {  	_ = 	snop  }
0x7: {  	_ = 	snop  }
__scs_overlays_trampoline_lowered:
0x8: {  	[smem:$0x3FAA] =	sst s0  }
0x9: {  	[smem:$0x3FAB] =	sst s1  }
0xa: {  	[smem:$0x3FAC] =	sst s2  }
0xb: {  	[smem:$0x3FAD] =	sst s3  }
0xc: {  	[smem:$0x3FAE] =	sst s4  }
0xd: {  	[smem:$0x3FAF] =	sst s5  }
0xe: {  	[smem:$0x3FB0] =	sst s6  }
0xf: {  	[smem:$0x3FB1] =	sst s7  }
0x10: {  	[smem:$0x3FB2] =	sst s8  }
0x11: {  	[smem:$0x3FB3] =	sst s9;
	s0 =	simm.s32 @!p0 $0x0  }
0x12: {  	s1 =	sld [smem:$0x3F99];
	s0 =	simm.s32 @p0 $0x1  }
0x13: {  	[smem:$0x3FB4] =	sst s0;
	s0 =	simm.s32 @!p1 $0x0  }
0x14: {  	s2 =	sld [smem:$0x3F98];
	s0 =	simm.s32 @p1 $0x1  }
0x15: {  	[smem:$0x3FB5] =	sst s0;
	s0 =	simm.s32 @!p2 $0x0  }
0x16: {  	s3 =	sld [smem:$0x3FDB];
	s0 =	simm.s32 @p2 $0x1  }
0x17: {  	s4 =	simm.s32 $0x1BF5;
	[smem:$0x3FB7] =	sst s0  }
0x18: {  	s0 =	sld [smem:$0x3F9A];
	_ =	swait.ge [sflag:s4], $0x0  }
0x19: {  	s7 =	sld [smem:$0x3F9B]  }
0x1a: {  	s8 =	sadd.s32 $0xFFFFE003, lr  }
0x1b: {  	s9 =	sadd.s32 $0xFFFFFEF7, lr;
	s5 =	simm.s32 $0xFFFFFFFF;
	p2 =	slt.u32 s8, $0xFFFFF086  }
0x1c: {  	p1 =	slt.u32 s9, $0xF7A;
	s5 =	simm.s32 @!p2 $0x0  }
0x1d: {  	s5 =	simm.s32 @p1 $0x1;
	p0 =	seq.s32 s7, s2  }
0x1e: {  	s7 =	smul.u32 @!p0 $0xF7A, s2;
	p2 =	seq.s32 @!p0 s5, $0x0  }
0x1f: {  	s9 =	smul.u32 $0xF7A, s1;
	s8 =	simm.s32 @!p0 $0x1BF5;
	p2 =	por !p2, p0  }
0x20: {  	[sflag:s8] =	ssyncset.s32 @!p0 $0xFFFFF086;
	s6 =	sadd.s32 @!p0 s3, s7;
	s7 =	simm.s32 @!p0 $0x108  }
0x21: {  	s3 =	sadd.s32 s3, s9;
	s6 =	sadd.s32 @!p0 $0x88, s6;
	s7 =	simm.s32 @p2 $0x1082  }
0x22: {  	[simem:s7], [sflag:s8] =	dma.local @!p0 [hbm:s6], $0xF7A  }
0x23: {  	s9 =	sor.u32 $0xD0000000, s2;
	s6 =	simm.s32 $0x108;
	_ =	swait.ge @!p0 [sflag:s8], $0x0  }
0x24: {  	s3 =	sadd.s32 $0x88, s3;
	s6 =	simm.s32 @!p1 $0x1082;
	[sflag:s4] =	ssyncset.s32 $0xFFFFF086  }
0x25: {  	[simem:s6], [sflag:s4] =	dma.local [hbm:s3], $0xF7A  }
0x26: {  	[smem:$0x3F9B] =	sst s1;
	(tag) =	ssettag s2;
	_ =	strace s9  }
0x27: {  	s1 =	sld [smem:$0x3FAB]  }
0x28: {  	s2 =	sld [smem:$0x3FAC]  }
0x29: {  	s4 =	sld [smem:$0x3FAE]  }
0x2a: {  	p0 =	seq.s32 s5, $0x0;
	s5 =	sld [smem:$0x3FAF]  }
0x2b: {  	s6 =	sld [smem:$0x3FB0]  }
0x2c: {  	s7 =	sld [smem:$0x3FB1]  }
0x2d: {  	s3 =	simm.s32 $0x108;
	s8 =	sld [smem:$0x3FB2]  }
0x2e: {  	s3 =	simm.s32 @!p0 $0x1082;
	s9 =	sld [smem:$0x3FB3]  }
0x2f: {  	lr =	sadd.s32 s0, s3;
	s0 =	sld [smem:$0x3FAA]  }
0x30: {  	s3 =	sld [smem:$0x3FAD]  }
0x31: {  	[smem:$0x3FB6] =	sst s10  }
0x32: {  	s10 =	sld [smem:$0x3FB4];
	_ =	sdelay $0x3  }
0x33: {  	p0 =	seq.s32 s10, $0x1;
	s10 =	sld [smem:$0x3FB6];
	_ =	sdelay $0x3  }
0x34: {  	[smem:$0x3FB6] =	sst s10  }
0x35: {  	s10 =	sld [smem:$0x3FB5];
	_ =	sdelay $0x3  }
0x36: {  	p1 =	seq.s32 s10, $0x1;
	s10 =	sld [smem:$0x3FB6];
	_ =	sdelay $0x3  }
0x37: {  	[smem:$0x3FB6] =	sst s10  }
0x38: {  	s10 =	sld [smem:$0x3FB7]  }
0x39: {  	_ = 	snop;
	(pc) =	sbr.ind lr, $3  }
0x3a: {  	_ = 	snop  }
0x3b: {  	_ = 	snop  }
0x3c: {  	p2 =	seq.s32 s10, $0x1;
	s10 =	sld [smem:$0x3FB6]  }
0x3d: {  	_ =	shalt  }
0x3e: {  	_ =	shalt  }
0x3f: {  	_ =	shalt  }
0x40: {  	_ =	shalt  }
0x41: {  	_ =	shalt  }
0x42: {  	_ =	shalt  }
0x43: {  	_ =	shalt  }
0x44: {  	_ =	shalt  }
0x45: {  	_ =	shalt  }
0x46: {  	_ =	shalt  }
0x47: {  	_ =	shalt  }
0x48: {  	_ =	shalt  }
0x49: {  	_ =	shalt  }
0x4a: {  	_ =	shalt  }
0x4b: {  	_ =	shalt  }
0x4c: {  	_ =	shalt  }
0x4d: {  	_ =	shalt  }
0x4e: {  	_ =	shalt  }
0x4f: {  	_ =	shalt  }
0x50: {  	_ =	shalt  }
0x51: {  	_ =	shalt  }
0x52: {  	_ =	shalt  }
0x53: {  	_ =	shalt  }
0x54: {  	_ =	shalt  }
0x55: {  	_ =	shalt  }
0x56: {  	_ =	shalt  }
0x57: {  	_ =	shalt  }
0x58: {  	_ =	shalt  }
0x59: {  	_ =	shalt  }
0x5a: {  	_ =	shalt  }
0x5b: {  	_ =	shalt  }
0x5c: {  	_ =	shalt  }
0x5d: {  	_ =	shalt  }
0x5e: {  	_ =	shalt  }
0x5f: {  	_ =	shalt  }
0x60: {  	_ =	shalt  }
0x61: {  	_ =	shalt  }
0x62: {  	_ =	shalt  }
0x63: {  	_ =	shalt  }
0x64: {  	_ =	shalt  }
0x65: {  	_ =	shalt  }
0x66: {  	_ =	shalt  }
0x67: {  	_ =	shalt  }
0x68: {  	_ =	shalt  }
0x69: {  	_ =	shalt  }
0x6a: {  	_ =	shalt  }
0x6b: {  	_ =	shalt  }
0x6c: {  	_ =	shalt  }
0x6d: {  	_ =	shalt  }
0x6e: {  	_ =	shalt  }
0x6f: {  	_ =	shalt  }
0x70: {  	_ =	shalt  }
0x71: {  	_ =	shalt  }
0x72: {  	_ =	shalt  }
0x73: {  	_ =	shalt  }
0x74: {  	_ =	shalt  }
0x75: {  	_ =	shalt  }
0x76: {  	_ =	shalt  }
0x77: {  	_ =	shalt  }
0x78: {  	_ =	shalt  }
0x79: {  	_ =	shalt  }
0x7a: {  	_ =	shalt  }
0x7b: {  	_ =	shalt  }
0x7c: {  	_ =	shalt  }
0x7d: {  	_ =	shalt  }
0x7e: {  	_ =	shalt  }
0x7f: {  	_ =	shalt  }
0x80: {  	_ =	shalt  }
0x81: {  	_ =	shalt  }
0x82: {  	_ =	shalt  }
0x83: {  	_ =	shalt  }
0x84: {  	_ =	shalt  }
0x85: {  	_ =	shalt  }
0x86: {  	_ =	shalt  }
0x87: {  	_ =	shalt  }
.Lfunc_end0:
.L_simem_size_0:
called_computation_lowered:
.L_overlay_start_0:
0x88: {  	s2 =	sld [smem:$0x3FD9]  }
0x89: {  	s3 =	sld [smem:$0x3FFE];
	_ =	sdelay $0x1  }
0x8a: {  	s1 =	srdreg.scid  }
0x8b: {  	s0 =	sand.u32 $0x1, s1  }
0x8c: {  	s17 =	sshll.u32 s0, $0xA;
	s2 =	sadd.s32 s3, s2  }
0x8d: {  	s2 =	sadd.s32 s2, s17  }
0x8e: {  	[smem:$0x3FC2] =	sst s2  }
0x8f: {  	_ = 	snop  }
0x90: {  	s2 =	sld [smem:$0x3FC9]  }
0x91: {  	s18 =	sld [smem:$0x3FD0];
	(tm) =	ssettm $0x1  }
0x92: {  	s4 =	sld [smem:$0x3FFB];
	_ =	sdelay $0x3  }
0x93: {  	_ =	strace s4  }
0x94: {  	s4 =	sld [smem:$0x3FFC];
	_ =	sdelay $0x3  }
0x95: {  	_ =	strace s4  }
0x96: {  	s4 =	sld [smem:$0x3FFD];
	_ =	sdelay $0x3  }
0x97: {  	_ =	strace s4  }
0x98: {  	_ =	strace $0x8FFFFFFF  }
0x99: {  	s19 =	sld [smem:$0x3FDB];
	_ =	sdelay $0x1  }
0x9a: {  	s5 =	simm.s32 $_scs_section_size  }
0x9b: {  	s6 =	simm.s32 $_size__tile_overlayer_lowered;
	s7 =	simm.s32 $_tile_overlayer_lowered  }
0x9c: {  	s22 =	simm.s32 $0x1BFF;
	s21 =	sshll.u32 s7, $0x1;
	s4 =	sadd.s32 s5, s19  }
0x9d: {  	s8 =	simm.s32 $0x0;
	s20 =	sshll.u32 s6, $0x1;
	s6 =	sadd.s32 s21, s4  }
0x9e: {  	[timem:s8], [sflag:s22] =	dma.local [hbm:s6], s20  }
0x9f: {  	_ =	swait.ge [sflag:s22], s20  }
0xa0: {  	s5 =	ssub.s32 $0x0, s20;
	[sflag:s22] =	ssyncset.done $0x0  }
0xa1: {  	[sflag:s22] =	ssyncadd.s32 s5;
	_ =	sdelay $0x1  }
0xa2: {  	s23 =	simm.s32 $0x1B8B  }
0xa3: {  	_ =	swait.ge [sflag:s23], $0x1  }
0xa4: {  	[sflag:s23] =	ssyncset.done $0x0  }
0xa5: {  	s25 =	simm.s32 $0x1B8E;
	s24 =	sld [smem:$0x3FFE];
	[sflag:s23] =	ssyncadd.s32 $0xFFFFFFFF  }
0xa6: {  	s26 =	simm.s32 $execute0_lowered;
	[smem:$0x3FD2] =	sst s25  }
0xa7: {  	s6 =	sshll.u32 s26, $0x1;
	_ =	strace $0x80000046;
	[dreg:$0x1] =	wrdreg $0xFFFFFFFF  }
0xa8: {  	s28 =	simm.s32 $_size_execute0_lowered;
	s4 =	sadd.s32 s4, s6;
	[dreg:$0x0] =	wrdreg $0x0  }
0xa9: {  	s6 =	sshll.u32 s28, $0x1;
	[dreg:$0x2] =	wrdreg s4  }
0xaa: {  	[dreg:$0x3] =	wrdreg s6  }
0xab: {  	[dreg:$0x4] =	wrdreg $0xC0  }
0xac: {  	_ =	task [dreg:s8], $0x5FFFF  }
0xad: {  	[dreg:$0x1] =	wrdreg $0xFFFFFFFF  }
0xae: {  	[dreg:$0x0] =	wrdreg $0x60  }
0xaf: {  	[dreg:$0x2] =	wrdreg s2  }
0xb0: {  	[dreg:$0x3] =	wrdreg s24  }
0xb1: {  	[dreg:$0x4] =	wrdreg s18  }
0xb2: {  	[dreg:$0x5] =	wrdreg $0x9  }
0xb3: {  	_ =	task.clear_ibuf [dreg:s8], $0x6FFFF;
	_ =	strace $0x90000046  }
0xb4: {  	s29 =	simm.s32 $0x9;
	_ =	strace $0x80000048  }
0xb5: {  	_ =	swait.ge [sflag:s29], $0x1  }
0xb6: {  	[sflag:s29] =	ssyncadd.s32 $0xFFFFFFFF  }
0xb7: {  	_ =	strace $0x90000048  }
0xb8: {  	_ =	sfence  }
0xb9: {  	s30 =	sld [smem:$0x0];
	_ =	sdelay $0x2  }
0xba: {  	s31 =	sshll.u32 s1, $0xD;
	s1 =	sshrl.u32 s1, $0x2  }
0xbb: {  	s3 =	sand.u32 $0x4000, s31;
	s1 =	sadd.s32 s1, s30  }
0xbc: {  	s0 =	sor.u32 s3, s0;
	s1 =	sshll.u32 s1, $0x11  }
0xbd: {  	s0 =	sor.u32 s1, s0  }
0xbe: {  	s0 =	sadd.s32 $0x8F2B, s0  }
0xbf: {  	[sflag:s0] =	ssyncadd.remote.s32 $0x1  }
0xc0: {  	_ =	sfence.sel $0xFFFF  }
0xc1: {  	[dreg:$0x0] =	wrdreg $0xFFFFFFFF;
	(pc) =	sbr.abs _section_cstart, $3  }
0xc2: {  	[dreg:$0x1] =	wrdreg $0xFFFFFFFF  }
0xc3: {  	_ =	task.clear_ibuf [dreg:s8], $0x2FFFF;
	_ =	strace $0x9FFFFFFF  }
0xc4: {  	(tm) =	ssettm $0x7FFFFFFF  }
0xc5: {  	_ =	shalt  }
tec
execute0_lowered:
.L_overlay_start_1:
0x0: {  	(tag) =	ssettag $0x1  }
0x1: {  	s0 =	srdreg.scid  }
0x2: {  	s2 =	stileid.u32;
	s13 =	rddreg [dreg:$0x1];
	s0 =	sand.u32 $0x1, s0  }
0x3: {  	s4 =	rddreg [dreg:$0x0];
	s5 =	sadd.s32 $0x1600, s13;
	s1 =	sor.u32 s0, s2  }
0x4: {  	p1 =	seq.s32 s0, $0x1;
	s20 =	ssub.s32 $0x2, s0;
	p0 =	seq.s32 s1, $0x0  }
0x5: {  	s12 =	sadd.s32 $0x101600, s13;
	s7 =	sshrl.u32 s20, $0x1;
	p0 =	por !p0, !p1  }
0x6: {  	s1 =	simm.s32 $0x1;
	s14 =	ssub.s32 s20, s7;
	p0 =	por !p0, !p0  }
0x7: {  	s21 =	sshll.u32 s0, $0x12;
	s14 =	smax.u32 s14, $0x1;
	s1 =	simm.s32 @!p0 $0x0  }
0x8: {  	s2 =	ssub.s32 s2, s1;
	s1 =	sshll.u32 s0, $0xB;
	s0 =	sshll.u32 s0, $0xE  }
0x9: {  	s3 =	sshll.u32 s2, $0xC;
	s6 =	sshll.u32 s2, $0x7;
	s15 =	sshll.u32 s2, $0x13  }
0xa: {  	s2 =	sor.u32 $0x100, s1;
	s7 =	sor.u32 $0x300, s1;
	s3 =	sand.u32 $0xFFFF8000, s3  }
0xb: {  	s6 =	sand.u32 $0x380, s6;
	s8 =	sshll.u32 s2, $0x7;
	s10 =	sshll.u32 s7, $0x7  }
0xc: {  	s3 =	sor.u32 s6, s3;
	s6 =	sor.u32 s21, s15;
	s24 =	sor.u32 s8, s15  }
0xd: {  	s8 =	sor.u32 $0x400, s1;
	s17 =	sor.u32 s10, s15;
	s10 =	sor.u32 $0x600, s1  }
0xe: {  	s22 =	sshrl.u32 s3, $0x3;
	s23 =	sshrl.u32 s6, $0x3;
	s26 =	sshrl.u32 s24, $0x3  }
0xf: {  	s6 =	sor.u32 $0x200, s1;
	s11 =	sshll.u32 s8, $0x7;
	s20 =	sshll.u32 s10, $0x7  }
0x10: {  	s0 =	sor.u32 s0, s3;
	s4 =	sadd.s32 s4, s22;
	s25 =	sadd.s32 s12, s23  }
0x11: {  	s9 =	sshll.u32 s6, $0x7;
	s18 =	sor.u32 s11, s15;
	s11 =	sor.u32 $0x700, s1  }
0x12: {  	s20 =	sor.u32 s20, s15;
	s28 =	sadd.s32 s12, s26;
	[dreg:$0x4] =	wrdreg s4  }
0x13: {  	s0 =	sshrl.u32 s0, $0x3;
	[dreg:$0x5] =	wrdreg s25;
	s4 =	sadd.s32 s5, s23  }
0x14: {  	s16 =	sor.u32 s9, s15;
	s9 =	sor.u32 $0x500, s1;
	s21 =	sshll.u32 s11, $0x7  }
0x15: {  	[dreg:$0x7] =	wrdreg s28;
	s23 =	sshrl.u32 s17, $0x3;
	s25 =	sshrl.u32 s18, $0x3  }
0x16: {  	s18 =	sshrl.u32 s20, $0x3;
	[dreg:$0x6] =	wrdreg s4;
	s19 =	sshll.u32 s9, $0x7  }
0x17: {  	s4 =	sadd.s32 s5, s26;
	s22 =	sshrl.u32 s16, $0x3;
	s24 =	sadd.s32 s12, s23  }
0x18: {  	s26 =	sadd.s32 s12, s25;
	s19 =	sor.u32 s19, s15;
	[dreg:$0x8] =	wrdreg s4  }
0x19: {  	s15 =	sor.u32 s21, s15;
	s16 =	sadd.s32 s12, s22;
	[dreg:$0xb] =	wrdreg s24  }
0x1a: {  	s4 =	sadd.s32 s5, s22;
	[dreg:$0xd] =	wrdreg s26;
	s21 =	sshll.u32 s2, $0x3  }
0x1b: {  	s22 =	sshll.u32 s6, $0x3;
	s24 =	sshll.u32 s8, $0x3;
	[dreg:$0x9] =	wrdreg s16  }
0x1c: {  	s26 =	sshll.u32 s10, $0x3;
	[dreg:$0xa] =	wrdreg s4;
	s4 =	sadd.s32 s5, s23  }
0x1d: {  	s28 =	sshrl.u32 s19, $0x3;
	s19 =	sadd.s32 s12, s18;
	[dreg:$0xc] =	wrdreg s4  }
0x1e: {  	s20 =	sshrl.u32 s15, $0x3;
	s4 =	sadd.s32 s5, s25;
	[dreg:$0x11] =	wrdreg s19  }
0x1f: {  	s23 =	sshll.u32 s7, $0x3;
	s17 =	sadd.s32 s12, s28;
	[dreg:$0xe] =	wrdreg s4  }
0x20: {  	s15 =	sor.u32 s24, s3;
	s12 =	sadd.s32 s12, s20;
	[dreg:$0xf] =	wrdreg s17  }
0x21: {  	s25 =	sshll.u32 s9, $0x3;
	s4 =	sadd.s32 s5, s28;
	[dreg:$0x13] =	wrdreg s12  }
0x22: {  	s12 =	sor.u32 s23, s3;
	s16 =	sor.u32 s25, s3;
	s17 =	sor.u32 s26, s3  }
0x23: {  	s26 =	simm.s32 $0x0;
	s28 =	sshll.u32 s11, $0x3;
	s23 =	sshrl.u32 s15, $0x3  }
0x24: {  	s15 =	simm.s32 $0x1;
	[dreg:$0x10] =	wrdreg s4;
	s4 =	sadd.s32 s5, s18  }
0x25: {  	s18 =	sor.u32 s28, s3;
	[smem:$0x7FF] =	sst s26;
	s24 =	sshrl.u32 s16, $0x3  }
0x26: {  	s25 =	sshrl.u32 s17, $0x3;
	s16 =	simm.s32 $0x80;
	s17 =	simm.s32 $0x400  }
0x27: {  	[dreg:$0x12] =	wrdreg s4;
	s4 =	sadd.s32 s5, s20;
	s5 =	sor.u32 s22, s3  }
0x28: {  	s22 =	sshrl.u32 s12, $0x3;
	s28 =	sshrl.u32 s18, $0x3;
	s12 =	sadd.s32 $0x1400, s13  }
0x29: {  	s13 =	sadd.s32 $0x201600, s13;
	s18 =	simm.s32 $0x2100;
	[dreg:$0x14] =	wrdreg s4  }
0x2a: {  	s4 =	sor.u32 s21, s3;
	s20 =	sshrl.u32 s5, $0x3;
	s21 =	rddreg [dreg:$0x2]  }
0x2b: {  	s19 =	sshrl.u32 s4, $0x3;
	s0 =	sadd.s32 s21, s0;
	s30 =	sadd.s32 s21, s20  }
0x2c: {  	s31 =	sadd.s32 s21, s22;
	s3 =	sadd.s32 s21, s24;
	s4 =	sadd.s32 s21, s25  }
0x2d: {  	s5 =	sadd.s32 s21, s28;
	s20 =	simm.s32 $0x1100;
	s22 =	simm.s32 $0x0  }
0x2e: {  	[dreg:$0x15] =	wrdreg s0;
	s29 =	sadd.s32 s21, s19;
	s0 =	sadd.s32 s21, s23  }
0x2f: {  	v0 =	vlaneseq.u32;
	s19 =	simm.s32 $0xA100;
	s21 =	simm.s32 $0x12100;
	_ =	strace $0x80000047  }
.LBB2_1:
0x30: {  	[tilespmem:s26], [sflag:$0x1] =	stream.linear.gather [hbm4b:s12+s26], $0x80, $0x38;
	[tilespmem:$0x12200] =	vst v63  }
0x31: {  	_ =	swait.ge [sflag:s15], $0x80  }
0x32: {  	[sflag:s15] =	ssyncset.done $0x0  }
0x33: {  	[sflag:s15] =	ssyncadd.s32 $0xFFFFFF80  }
0x34: {  	[tilespmem:s16], [sflag:$0x1] =	stream.linear.gather [hbm4b:s13+s26], $0x80, $0x38;
	[tilespmem:$0x12200] =	vst v63  }
0x35: {  	_ =	swait.ge [sflag:s15], $0x80  }
0x36: {  	[sflag:s15] =	ssyncset.done $0x0  }
0x37: {  	s24 =	simm.s32 $0x100;
	s23 =	rddreg [dreg:$0x4];
	[sflag:s15] =	ssyncadd.s32 $0xFFFFFF80  }
0x38: {  	[tilespmem:s24], [sflag:$0x1] =	stream.strided.gather [hbm4b:s23+s16], $0x1000, s17, s16, $0x38;
	[tilespmem:$0x12200] =	vst v63  }
0x39: {  	_ =	swait.ge [sflag:s15], $0x1000  }
0x3a: {  	[sflag:s15] =	ssyncset.done $0x0  }
0x3b: {  	s23 =	simm.s32 $0x0;
	[sflag:s15] =	ssyncadd.s32 $0xFFFFF000  }
0x3c: {  	v1 =	vld [tilespmem:s23+$0x100];
	_ =	sdelay $0x7  }
0x3d: {  	s25 =	simm.s32 $0x80;
	s24 =	simm.s32 $0x10;
	v1 =	vld.idx.msk [tilespmem:v1+s26+$0x0], $0xffff  }
.LBB2_2:
0x3e: {  	p0 =	sne.s32 s25, $0x3FC0;
	v2 =	vld [tilespmem:s24+$0x100];
	_ =	sdelay $0x3  }
.Ltmp0:
0x3f: {  	(pc) =	sbr.rel @p0 .LBB2_2-.Ltmp0, $2  }
0x40: {  	[tilespmem:s23+$0x1100] =	vst v1;
	s23 =	smov.u32 s24;
	_ =	sdelay $0x2  }
0x41: {  	s24 =	sshra.s32 s25, $0x2;
	s25 =	sadd.s32 $0x40, s25;
	v1 =	vld.idx.msk [tilespmem:v2+s26+$0x0], $0xffff  }
0x42: {  	v2 =	vld [tilespmem:s24+$0x100];
	_ =	sdelay $0x6  }
0x43: {  	[tilespmem:s23+$0x1100] =	vst v1  }
0x44: {  	v1 =	vld.idx.msk [tilespmem:v2+s26+$0x0], $0xffff;
	_ =	sdelay $0x4  }
0x45: {  	[tilespmem:s24+$0x1100] =	vst v1  }
0x46: {  	s25 =	rddreg [dreg:$0x5];
	s23 =	simm.s32 $0x0;
	v1 =	vld [tilespmem:$0x80]  }
0x47: {  	v2 =	vld [tilespmem:$0x90];
	[tilespmem:s18], [sflag:$0x1] =	stream.linear.gather [hbm4b:s25+s23], $0x8000, $0x38  }
0x48: {  	_ =	swait.ge [sflag:s15], $0x8000  }
0x49: {  	[sflag:s15] =	ssyncset.done $0x0  }
0x4a: {  	s28 =	rddreg [dreg:$0x6];
	[sflag:s15] =	ssyncadd.s32 $0xFFFF8000  }
0x4b: {  	[tilespmem:s19], [sflag:$0x1] =	stream.linear.gather [hbm4b:s28+s23], $0x8000, $0x38;
	[tilespmem:$0x12200] =	vst v63  }
0x4c: {  	_ =	swait.ge [sflag:s15], $0x8000  }
0x4d: {  	[sflag:s15] =	ssyncset.done $0x0  }
0x4e: {  	s24 =	simm.s32 $0x0;
	[sflag:s15] =	ssyncadd.s32 $0xFFFF8000  }
.LBB2_4:
0x4f: {  	v3 =	vmov s23  }
0x50: {  	s25 =	sshll.u32 s24, $0x4;
	v4 =	vand.u32 $0x7F, v3  }
0x51: {  	v3 =	vor.u32 s25, v0;
	v4 =	vbroadcast v4, $0x0  }
0x52: {  	v8 =	vshll.u32 v3, $0x7  }
0x53: {  	v4 =	vor.u32 v8, v4;
	_ =	sdelay $0x1  }
0x54: {  	s28 =	simm.s32 $0x1  }
0x55: {  	v5 =	vmov s28  }
0x56: {  	v5 =	vand.u32 $0x7F, v5  }
0x57: {  	v5 =	vbroadcast v5, $0x0;
	v14 =	vld.idx.msk [tilespmem:v4+s19+$0x0], $0xffff;
	_ =	sdelay $0x1  }
0x58: {  	v6 =	vor.u32 v8, v5;
	_ =	sdelay $0x1  }
0x59: {  	s28 =	simm.s32 $0x2  }
0x5a: {  	v7 =	vmov s28;
	v5 =	vmin.f32 v14, $1.000000000e+01  }
0x5b: {  	v9 =	vsub.f32 v5, v1;
	v5 =	vand.u32 $0x7F, v7  }
0x5c: {  	v7 =	vbroadcast v5, $0x0;
	v5 =	vld.idx.msk [tilespmem:v6+s19+$0x0], $0xffff  }
0x5d: {  	v9 =	vmul.f32 v9, v9  }
0x5e: {  	v12 =	vor.u32 v8, v7  }
0x5f: {  	v7 =	vsub.f32 $0.0e+00, v9;
	v9 =	vld.idx.msk [tilespmem:v4+s18+$0x0], $0xffff  }
0x60: {  	s28 =	simm.s32 $0x3  }
0x61: {  	v4 =	vmul.f32 v7, v2;
	v7 =	vmov s28;
	v10 =	vmin.f32 v5, $1.000000000e+01  }
0x62: {  	v7 =	vand.u32 $0x7F, v7;
	v10 =	vsub.f32 v10, v1  }
0x63: {  	v11 =	vmul.f32 $1.442695020e+00, v4;
	v7 =	vbroadcast v7, $0x0;
	v4 =	vld.idx.msk [tilespmem:v12+s19+$0x0], $0xffff  }
0x64: {  	v13 =	vmul.f32 v10, v10;
	vm0 =	vgt.s32 v9, $0x0  }
0x65: {  	s28 =	simm.s32 $0x4;
	(erf) = vpow2.f32 v11;
	v10 =	vor.u32 v8, v7;
	v11 =	vld.idx.msk [tilespmem:v6+s18+$0x0], $0xffff;
	v6 =	vnsel vm0, $0x0, v9  }
0x66: {  	v7 =	vmov s28;
	v9 =	vsub.f32 $0.0e+00, v13;
	v15 =	vmin.u32 v6, $0xFFF  }
0x67: {  	v6 =	vand.u32 $0x7F, v7  }
0x68: {  	s28 =	simm.s32 $0x5;
	v6 =	vbroadcast v6, $0x0;
	v13 =	vmin.f32 v4, $1.000000000e+01;
	v9 =	vmul.f32 v9, v2  }
0x69: {  	v18 =	vmov s28;
	v16 =	vsub.f32 v13, v1  }
0x6a: {  	v13 =	vor.u32 v8, v6;
	vm0 =	vgt.s32 v11, $0x0;
	v17 =	vmul.f32 $1.442695020e+00, v9;
	v6 =	vld.idx.msk [tilespmem:v10+s19+$0x0], $0xffff  }
0x6b: {  	v16 =	vmul.f32 v16, v16;
	v11 =	vnsel vm0, $0x0, v11;
	v9 =	vld.idx.msk [tilespmem:v15+s20+$0x0], $0xffff;
	v15 =	vand.u32 $0x7F, v18  }
0x6c: {  	v12 =	vld.idx.msk [tilespmem:v12+s18+$0x0], $0xffff;
	v11 =	vmin.u32 v11, $0xFFF;
	(erf) = vpow2.f32 v17  }
0x6d: {  	v7 =	vimm.f32 $0.0e+00;
	v16 =	vsub.f32 $0.0e+00, v16  }
0x6e: {  	s28 =	simm.s32 $0x6;
	vm0 =	vlt.f32 v14, $9.999899860e+00;
	v14 =	vmov v13;
	v17 =	vbroadcast v15, $0x0;
	v15 =	vpop (erf)  }
.LBB2_5:
0x6f: {  	p0 =	sne.s32 s28, $0x3F;
	v18 =	vmin.f32 v6, $1.000000000e+01;
	v16 =	vmul.f32 v16, v2;
	v15 =	vnsel vm0, $0x0, v15;
	v19 =	vmovc v4;
	v4 =	vmovc v6  }
0x70: {  	v6 =	vld.idx.msk [tilespmem:v13+s19+$0x0], $0xffff;
	v18 =	vsub.f32 v18, v1;
	v15 =	vmul.f32 v15, v9  }
.Ltmp1:
0x71: {  	v13 =	vor.u32 v8, v17;
	vm0 =	vgt.s32 v12, $0x0;
	v16 =	vmul.f32 $1.442695020e+00, v16;
	v9 =	vld.idx.msk [tilespmem:v11+s20+$0x0], $0xffff;
	(pc) =	sbr.rel @p0 .LBB2_5-.Ltmp1, $4  }
0x72: {  	v11 =	vnsel vm0, $0x0, v12;
	v17 =	vmul.f32 v18, v18;
	v12 =	vld.idx.msk [tilespmem:v10+s18+$0x0], $0xffff;
	v7 =	vadd.f32 v15, v7;
	v10 =	vmovc v14  }
0x73: {  	v20 =	vmov s28;
	v11 =	vmin.u32 v11, $0xFFF;
	v14 =	vmovc v13;
	(erf) = vpow2.f32 v16  }
0x74: {  	v18 =	vand.u32 $0x7F, v20;
	v16 =	vsub.f32 $0.0e+00, v17  }
0x75: {  	s28 =	sadd.s32 $0x1, s28;
	vm0 =	vlt.f32 v5, $9.999899860e+00;
	v5 =	vmov v19;
	v17 =	vbroadcast v18, $0x0;
	v15 =	vpop (erf)  }
0x76: {  	_ = 	snop  }
0x77: {  	v8 =	vor.u32 v8, v17;
	_ =	sdelay $0x2  }
0x78: {  	v13 =	vld.idx.msk [tilespmem:v13+s19+$0x0], $0xffff;
	_ =	sdelay $0x1  }
0x79: {  	v42 =	vmin.f32 v6, $1.000000000e+01;
	v18 =	vld.idx.msk [tilespmem:v8+s19+$0x0], $0xffff  }
0x7a: {  	v17 =	vsub.f32 v42, v1;
	_ =	sdelay $0x1  }
0x7b: {  	v17 =	vmul.f32 v17, v17;
	v19 =	vmin.f32 v13, $1.000000000e+01  }
0x7c: {  	v19 =	vsub.f32 v19, v1  }
0x7d: {  	v17 =	vsub.f32 $0.0e+00, v17;
	v20 =	vmin.f32 v18, $1.000000000e+01  }
0x7e: {  	v16 =	vmul.f32 v16, v2;
	v10 =	vld.idx.msk [tilespmem:v10+s18+$0x0], $0xffff;
	v19 =	vmul.f32 v19, v19;
	v20 =	vsub.f32 v20, v1  }
0x7f: {  	vm1 =	vgt.s32 v12, $0x0;
	v17 =	vmul.f32 v17, v2  }
0x80: {  	v14 =	vld.idx.msk [tilespmem:v14+s18+$0x0], $0xffff;
	v16 =	vmul.f32 $1.442695020e+00, v16;
	v19 =	vsub.f32 $0.0e+00, v19;
	v20 =	vmul.f32 v20, v20  }
0x81: {  	v12 =	vnsel vm1, $0x0, v12;
	v43 =	vmul.f32 $1.442695020e+00, v17  }
0x82: {  	(erf) = vpow2.f32 v16;
	v8 =	vld.idx.msk [tilespmem:v8+s18+$0x0], $0xffff;
	v44 =	vmul.f32 v19, v2;
	v45 =	vsub.f32 $0.0e+00, v20  }
0x83: {  	v12 =	vmin.u32 v12, $0xFFF;
	vm8 =	vgt.s32 v10, $0x0;
	(erf) = vpow2.f32 v43  }
0x84: {  	v10 =	vnsel vm8, $0x0, v10;
	v46 =	vmul.f32 $1.442695020e+00, v44;
	v47 =	vmul.f32 v45, v2  }
0x85: {  	v15 =	vnsel vm0, $0x0, v15;
	vm9 =	vgt.s32 v14, $0x0;
	v10 =	vmin.u32 v10, $0xFFF  }
0x86: {  	v11 =	vld.idx.msk [tilespmem:v11+s20+$0x0], $0xffff;
	v14 =	vnsel vm9, $0x0, v14;
	(erf) = vpow2.f32 v46;
	v48 =	vmul.f32 $1.442695020e+00, v47  }
0x87: {  	s28 =	sadd.s32 s1, s25;
	vm11 =	vlt.f32 v5, $9.999899860e+00;
	v14 =	vmin.u32 v14, $0xFFF;
	vm10 =	vgt.s32 v8, $0x0  }
0x88: {  	v50 =	vmov s28;
	v49 =	vpop (erf);
	v12 =	vld.idx.msk [tilespmem:v12+s20+$0x0], $0xffff;
	v8 =	vnsel vm10, $0x0, v8;
	(erf) = vpow2.f32 v48  }
0x89: {  	v9 =	vmul.f32 v15, v9;
	v15 =	vshrl.u32 v50, $0x7;
	v8 =	vmin.u32 v8, $0xFFF  }
0x8a: {  	vm12 =	vlt.f32 v4, $9.999899860e+00;
	v52 =	vshll.u32 v15, $0x7;
	v5 =	vnsel vm11, $0x0, v49;
	v51 =	vld.idx.msk [tilespmem:v10+s20+$0x0], $0xffff  }
0x8b: {  	v7 =	vadd.f32 v9, v7;
	v54 =	vbroadcast v52, $0x0;
	v5 =	vmul.f32 v5, v11;
	v53 =	vpop (erf)  }
0x8c: {  	v3 =	vand.u32 $0x7F, v3;
	vm13 =	vlt.f32 v6, $9.999899860e+00;
	v56 =	vld.idx.msk [tilespmem:v14+s20+$0x0], $0xffff;
	v55 =	vnsel vm12, $0x0, v53  }
0x8d: {  	v3 =	vor.u32 v3, v54;
	v5 =	vadd.f32 v5, v7;
	v7 =	vmul.f32 v55, v12;
	v57 =	vpop (erf)  }
0x8e: {  	v59 =	vld.idx.msk [tilespmem:v8+s20+$0x0], $0xffff;
	v58 =	vnsel vm13, $0x0, v57  }
0x8f: {  	vm14 =	vlt.f32 v13, $9.999899860e+00;
	v5 =	vadd.f32 v7, v5;
	v4 =	vmul.f32 v58, v51;
	v60 =	vpop (erf)  }
0x90: {  	v7 =	vnsel vm14, $0x0, v60  }
0x91: {  	vm15 =	vlt.f32 v18, $9.999899860e+00;
	v4 =	vadd.f32 v4, v5;
	v61 =	vmul.f32 v7, v56;
	v62 =	vpop (erf)  }
0x92: {  	v3 =	vld.idx.msk [tilespmem:v3+s20+$0x0], $0xffff;
	v7 =	vnsel vm15, $0x0, v62  }
0x93: {  	s24 =	sadd.s32 $0x1, s24;
	v4 =	vadd.f32 v61, v4;
	v63 =	vmul.f32 v7, v59  }
0x94: {  	p0 =	sne.s32 s24, $0x10  }
.Ltmp2:
0x95: {  	v4 =	vadd.f32 v63, v4;
	(pc) =	sbr.rel @p0 .LBB2_4-.Ltmp2, $3  }
0x96: {  	_ = 	snop  }
0x97: {  	v3 =	vmul.f32 v3, v4;
	_ =	sdelay $0x1  }
0x98: {  	[tilespmem:s25+$0x12100] =	vst v3  }
0x99: {  	s23 =	rddreg [dreg:$0x15]  }
0x9a: {  	[hbm4b:s23+s16] =	stream.strided.scatter [tilespmem:s21], [sflag:$0x1], $0x100, s17, s16, $0x38;
	[tilespmem:$0x12200] =	vst v63  }
0x9b: {  	_ =	swait.ge [sflag:s15], $0x100  }
0x9c: {  	[sflag:s15] =	ssyncset.done $0x0  }
0x9d: {  	s23 =	simm.s32 $0x0;
	s24 =	rddreg [dreg:$0x7];
	[sflag:s15] =	ssyncadd.s32 $0xFFFFFF00  }
0x9e: {  	[tilespmem:s18], [sflag:$0x1] =	stream.linear.gather [hbm4b:s24+s23], $0x8000, $0x38;
	[tilespmem:$0x12200] =	vst v63  }
0x9f: {  	_ =	swait.ge [sflag:s15], $0x8000  }
0xa0: {  	[sflag:s15] =	ssyncset.done $0x0  }
0xa1: {  	s28 =	rddreg [dreg:$0x8];
	[sflag:s15] =	ssyncadd.s32 $0xFFFF8000  }
0xa2: {  	[tilespmem:s19], [sflag:$0x1] =	stream.linear.gather [hbm4b:s28+s23], $0x8000, $0x38;
	[tilespmem:$0x12200] =	vst v63  }
0xa3: {  	_ =	swait.ge [sflag:s15], $0x8000  }
0xa4: {  	[sflag:s15] =	ssyncset.done $0x0  }
0xa5: {  	s24 =	simm.s32 $0x0;
	[sflag:s15] =	ssyncadd.s32 $0xFFFF8000  }
.LBB2_8:
0xa6: {  	v3 =	vmov s23  }
0xa7: {  	s25 =	sshll.u32 s24, $0x4;
	v4 =	vand.u32 $0x7F, v3  }
0xa8: {  	v3 =	vor.u32 s25, v0;
	v4 =	vbroadcast v4, $0x0  }
0xa9: {  	v8 =	vshll.u32 v3, $0x7  }
0xaa: {  	v4 =	vor.u32 v8, v4;
	_ =	sdelay $0x1  }
0xab: {  	s28 =	simm.s32 $0x1  }
0xac: {  	v5 =	vmov s28  }
0xad: {  	v5 =	vand.u32 $0x7F, v5  }
0xae: {  	v5 =	vbroadcast v5, $0x0;
	v14 =	vld.idx.msk [tilespmem:v4+s19+$0x0], $0xffff;
	_ =	sdelay $0x1  }
0xaf: {  	v6 =	vor.u32 v8, v5;
	_ =	sdelay $0x1  }
0xb0: {  	s28 =	simm.s32 $0x2  }
0xb1: {  	v7 =	vmov s28;
	v5 =	vmin.f32 v14, $1.000000000e+01  }
0xb2: {  	v9 =	vsub.f32 v5, v1;
	v5 =	vand.u32 $0x7F, v7  }
0xb3: {  	v7 =	vbroadcast v5, $0x0;
	v5 =	vld.idx.msk [tilespmem:v6+s19+$0x0], $0xffff  }
0xb4: {  	v9 =	vmul.f32 v9, v9  }
0xb5: {  	v12 =	vor.u32 v8, v7  }
0xb6: {  	v7 =	vsub.f32 $0.0e+00, v9;
	v9 =	vld.idx.msk [tilespmem:v4+s18+$0x0], $0xffff  }
0xb7: {  	s28 =	simm.s32 $0x3  }
0xb8: {  	v4 =	vmul.f32 v7, v2;
	v7 =	vmov s28;
	v10 =	vmin.f32 v5, $1.000000000e+01  }
0xb9: {  	v7 =	vand.u32 $0x7F, v7;
	v10 =	vsub.f32 v10, v1  }
0xba: {  	v11 =	vmul.f32 $1.442695020e+00, v4;
	v7 =	vbroadcast v7, $0x0;
	v4 =	vld.idx.msk [tilespmem:v12+s19+$0x0], $0xffff  }
0xbb: {  	v13 =	vmul.f32 v10, v10;
	vm0 =	vgt.s32 v9, $0x0  }
0xbc: {  	s28 =	simm.s32 $0x4;
	(erf) = vpow2.f32 v11;
	v10 =	vor.u32 v8, v7;
	v11 =	vld.idx.msk [tilespmem:v6+s18+$0x0], $0xffff;
	v6 =	vnsel vm0, $0x0, v9  }
0xbd: {  	v7 =	vmov s28;
	v9 =	vsub.f32 $0.0e+00, v13;
	v15 =	vmin.u32 v6, $0xFFF  }
0xbe: {  	v6 =	vand.u32 $0x7F, v7  }
0xbf: {  	s28 =	simm.s32 $0x5;
	v6 =	vbroadcast v6, $0x0;
	v13 =	vmin.f32 v4, $1.000000000e+01;
	v9 =	vmul.f32 v9, v2  }
0xc0: {  	v18 =	vmov s28;
	v16 =	vsub.f32 v13, v1  }
0xc1: {  	v13 =	vor.u32 v8, v6;
	vm0 =	vgt.s32 v11, $0x0;
	v17 =	vmul.f32 $1.442695020e+00, v9;
	v6 =	vld.idx.msk [tilespmem:v10+s19+$0x0], $0xffff  }
0xc2: {  	v16 =	vmul.f32 v16, v16;
	v11 =	vnsel vm0, $0x0, v11;
	v9 =	vld.idx.msk [tilespmem:v15+s20+$0x0], $0xffff;
	v15 =	vand.u32 $0x7F, v18  }
0xc3: {  	v12 =	vld.idx.msk [tilespmem:v12+s18+$0x0], $0xffff;
	v11 =	vmin.u32 v11, $0xFFF;
	(erf) = vpow2.f32 v17  }
0xc4: {  	v7 =	vimm.f32 $0.0e+00;
	v16 =	vsub.f32 $0.0e+00, v16  }
0xc5: {  	s28 =	simm.s32 $0x6;
	vm0 =	vlt.f32 v14, $9.999899860e+00;
	v14 =	vmov v13;
	v17 =	vbroadcast v15, $0x0;
	v15 =	vpop (erf)  }
.LBB2_9:
0xc6: {  	p0 =	sne.s32 s28, $0x3F;
	v18 =	vmin.f32 v6, $1.000000000e+01;
	v16 =	vmul.f32 v16, v2;
	v15 =	vnsel vm0, $0x0, v15;
	v19 =	vmovc v4;
	v4 =	vmovc v6  }
0xc7: {  	v6 =	vld.idx.msk [tilespmem:v13+s19+$0x0], $0xffff;
	v18 =	vsub.f32 v18, v1;
	v15 =	vmul.f32 v15, v9  }
.Ltmp3:
0xc8: {  	v13 =	vor.u32 v8, v17;
	vm0 =	vgt.s32 v12, $0x0;
	v16 =	vmul.f32 $1.442695020e+00, v16;
	v9 =	vld.idx.msk [tilespmem:v11+s20+$0x0], $0xffff;
	(pc) =	sbr.rel @p0 .LBB2_9-.Ltmp3, $4  }
0xc9: {  	v11 =	vnsel vm0, $0x0, v12;
	v17 =	vmul.f32 v18, v18;
	v12 =	vld.idx.msk [tilespmem:v10+s18+$0x0], $0xffff;
	v7 =	vadd.f32 v15, v7;
	v10 =	vmovc v14  }
0xca: {  	v20 =	vmov s28;
	v11 =	vmin.u32 v11, $0xFFF;
	v14 =	vmovc v13;
	(erf) = vpow2.f32 v16  }
0xcb: {  	v18 =	vand.u32 $0x7F, v20;
	v16 =	vsub.f32 $0.0e+00, v17  }
0xcc: {  	s28 =	sadd.s32 $0x1, s28;
	vm0 =	vlt.f32 v5, $9.999899860e+00;
	v5 =	vmov v19;
	v17 =	vbroadcast v18, $0x0;
	v15 =	vpop (erf)  }
0xcd: {  	_ = 	snop  }
0xce: {  	v8 =	vor.u32 v8, v17;
	_ =	sdelay $0x2  }
0xcf: {  	v13 =	vld.idx.msk [tilespmem:v13+s19+$0x0], $0xffff;
	_ =	sdelay $0x1  }
0xd0: {  	v42 =	vmin.f32 v6, $1.000000000e+01;
	v18 =	vld.idx.msk [tilespmem:v8+s19+$0x0], $0xffff  }
0xd1: {  	v17 =	vsub.f32 v42, v1;
	_ =	sdelay $0x1  }
0xd2: {  	v17 =	vmul.f32 v17, v17;
	v19 =	vmin.f32 v13, $1.000000000e+01  }
0xd3: {  	v19 =	vsub.f32 v19, v1  }
0xd4: {  	v17 =	vsub.f32 $0.0e+00, v17;
	v20 =	vmin.f32 v18, $1.000000000e+01  }
0xd5: {  	v16 =	vmul.f32 v16, v2;
	v10 =	vld.idx.msk [tilespmem:v10+s18+$0x0], $0xffff;
	v19 =	vmul.f32 v19, v19;
	v20 =	vsub.f32 v20, v1  }
0xd6: {  	vm1 =	vgt.s32 v12, $0x0;
	v17 =	vmul.f32 v17, v2  }
0xd7: {  	v14 =	vld.idx.msk [tilespmem:v14+s18+$0x0], $0xffff;
	v16 =	vmul.f32 $1.442695020e+00, v16;
	v19 =	vsub.f32 $0.0e+00, v19;
	v20 =	vmul.f32 v20, v20  }
0xd8: {  	v12 =	vnsel vm1, $0x0, v12;
	v43 =	vmul.f32 $1.442695020e+00, v17  }
0xd9: {  	(erf) = vpow2.f32 v16;
	v8 =	vld.idx.msk [tilespmem:v8+s18+$0x0], $0xffff;
	v44 =	vmul.f32 v19, v2;
	v45 =	vsub.f32 $0.0e+00, v20  }
0xda: {  	v12 =	vmin.u32 v12, $0xFFF;
	vm8 =	vgt.s32 v10, $0x0;
	(erf) = vpow2.f32 v43  }
0xdb: {  	v10 =	vnsel vm8, $0x0, v10;
	v46 =	vmul.f32 $1.442695020e+00, v44;
	v47 =	vmul.f32 v45, v2  }
0xdc: {  	v15 =	vnsel vm0, $0x0, v15;
	vm9 =	vgt.s32 v14, $0x0;
	v10 =	vmin.u32 v10, $0xFFF  }
0xdd: {  	v11 =	vld.idx.msk [tilespmem:v11+s20+$0x0], $0xffff;
	v14 =	vnsel vm9, $0x0, v14;
	(erf) = vpow2.f32 v46;
	v48 =	vmul.f32 $1.442695020e+00, v47  }
0xde: {  	s28 =	sadd.s32 s2, s25;
	vm11 =	vlt.f32 v5, $9.999899860e+00;
	v14 =	vmin.u32 v14, $0xFFF;
	vm10 =	vgt.s32 v8, $0x0  }
0xdf: {  	v50 =	vmov s28;
	v49 =	vpop (erf);
	v12 =	vld.idx.msk [tilespmem:v12+s20+$0x0], $0xffff;
	v8 =	vnsel vm10, $0x0, v8;
	(erf) = vpow2.f32 v48  }
0xe0: {  	v9 =	vmul.f32 v15, v9;
	v15 =	vshrl.u32 v50, $0x7;
	v8 =	vmin.u32 v8, $0xFFF  }
0xe1: {  	vm12 =	vlt.f32 v4, $9.999899860e+00;
	v52 =	vshll.u32 v15, $0x7;
	v5 =	vnsel vm11, $0x0, v49;
	v51 =	vld.idx.msk [tilespmem:v10+s20+$0x0], $0xffff  }
0xe2: {  	v7 =	vadd.f32 v9, v7;
	v54 =	vbroadcast v52, $0x0;
	v5 =	vmul.f32 v5, v11;
	v53 =	vpop (erf)  }
0xe3: {  	v3 =	vand.u32 $0x7F, v3;
	vm13 =	vlt.f32 v6, $9.999899860e+00;
	v56 =	vld.idx.msk [tilespmem:v14+s20+$0x0], $0xffff;
	v55 =	vnsel vm12, $0x0, v53  }
0xe4: {  	v3 =	vor.u32 v3, v54;
	v5 =	vadd.f32 v5, v7;
	v7 =	vmul.f32 v55, v12;
	v57 =	vpop (erf)  }
0xe5: {  	v59 =	vld.idx.msk [tilespmem:v8+s20+$0x0], $0xffff;
	v58 =	vnsel vm13, $0x0, v57  }
0xe6: {  	vm14 =	vlt.f32 v13, $9.999899860e+00;
	v5 =	vadd.f32 v7, v5;
	v4 =	vmul.f32 v58, v51;
	v60 =	vpop (erf)  }
0xe7: {  	v7 =	vnsel vm14, $0x0, v60  }
0xe8: {  	vm15 =	vlt.f32 v18, $9.999899860e+00;
	v4 =	vadd.f32 v4, v5;
	v61 =	vmul.f32 v7, v56;
	v62 =	vpop (erf)  }
0xe9: {  	v3 =	vld.idx.msk [tilespmem:v3+s20+$0x0], $0xffff;
	v7 =	vnsel vm15, $0x0, v62  }
0xea: {  	s24 =	sadd.s32 $0x1, s24;
	v4 =	vadd.f32 v61, v4;
	v63 =	vmul.f32 v7, v59  }
0xeb: {  	p0 =	sne.s32 s24, $0x10  }
.Ltmp4:
0xec: {  	v4 =	vadd.f32 v63, v4;
	(pc) =	sbr.rel @p0 .LBB2_8-.Ltmp4, $3  }
0xed: {  	_ = 	snop  }
0xee: {  	v3 =	vmul.f32 v3, v4;
	_ =	sdelay $0x1  }
0xef: {  	[tilespmem:s25+$0x12100] =	vst v3  }
0xf0: {  	[hbm4b:s29+s16] =	stream.strided.scatter [tilespmem:s21], [sflag:$0x1], $0x100, s17, s16, $0x38;
	[tilespmem:$0x12200] =	vst v63  }
0xf1: {  	_ =	swait.ge [sflag:s15], $0x100  }
0xf2: {  	[sflag:s15] =	ssyncset.done $0x0  }
0xf3: {  	s23 =	simm.s32 $0x0;
	s24 =	rddreg [dreg:$0x9];
	[sflag:s15] =	ssyncadd.s32 $0xFFFFFF00  }
0xf4: {  	[tilespmem:s18], [sflag:$0x1] =	stream.linear.gather [hbm4b:s24+s23], $0x8000, $0x38;
	[tilespmem:$0x12200] =	vst v63  }
0xf5: {  	_ =	swait.ge [sflag:s15], $0x8000  }
0xf6: {  	[sflag:s15] =	ssyncset.done $0x0  }
0xf7: {  	s28 =	rddreg [dreg:$0xa];
	[sflag:s15] =	ssyncadd.s32 $0xFFFF8000  }
0xf8: {  	[tilespmem:s19], [sflag:$0x1] =	stream.linear.gather [hbm4b:s28+s23], $0x8000, $0x38;
	[tilespmem:$0x12200] =	vst v63  }
0xf9: {  	_ =	swait.ge [sflag:s15], $0x8000  }
0xfa: {  	[sflag:s15] =	ssyncset.done $0x0  }
0xfb: {  	s24 =	simm.s32 $0x0;
	[sflag:s15] =	ssyncadd.s32 $0xFFFF8000  }
.LBB2_12:
0xfc: {  	v3 =	vmov s23  }
0xfd: {  	s25 =	sshll.u32 s24, $0x4;
	v4 =	vand.u32 $0x7F, v3  }
0xfe: {  	v3 =	vor.u32 s25, v0;
	v4 =	vbroadcast v4, $0x0  }
0xff: {  	v8 =	vshll.u32 v3, $0x7  }
0x100: {  	v4 =	vor.u32 v8, v4;
	_ =	sdelay $0x1  }
0x101: {  	s28 =	simm.s32 $0x1  }
0x102: {  	v5 =	vmov s28  }
0x103: {  	v5 =	vand.u32 $0x7F, v5  }
0x104: {  	v5 =	vbroadcast v5, $0x0;
	v14 =	vld.idx.msk [tilespmem:v4+s19+$0x0], $0xffff;
	_ =	sdelay $0x1  }
0x105: {  	v6 =	vor.u32 v8, v5;
	_ =	sdelay $0x1  }
0x106: {  	s28 =	simm.s32 $0x2  }
0x107: {  	v7 =	vmov s28;
	v5 =	vmin.f32 v14, $1.000000000e+01  }
0x108: {  	v9 =	vsub.f32 v5, v1;
	v5 =	vand.u32 $0x7F, v7  }
0x109: {  	v7 =	vbroadcast v5, $0x0;
	v5 =	vld.idx.msk [tilespmem:v6+s19+$0x0], $0xffff  }
0x10a: {  	v9 =	vmul.f32 v9, v9  }
0x10b: {  	v12 =	vor.u32 v8, v7  }
0x10c: {  	v7 =	vsub.f32 $0.0e+00, v9;
	v9 =	vld.idx.msk [tilespmem:v4+s18+$0x0], $0xffff  }
0x10d: {  	s28 =	simm.s32 $0x3  }
0x10e: {  	v4 =	vmul.f32 v7, v2;
	v7 =	vmov s28;
	v10 =	vmin.f32 v5, $1.000000000e+01  }
0x10f: {  	v7 =	vand.u32 $0x7F, v7;
	v10 =	vsub.f32 v10, v1  }
0x110: {  	v11 =	vmul.f32 $1.442695020e+00, v4;
	v7 =	vbroadcast v7, $0x0;
	v4 =	vld.idx.msk [tilespmem:v12+s19+$0x0], $0xffff  }
0x111: {  	v13 =	vmul.f32 v10, v10;
	vm0 =	vgt.s32 v9, $0x0  }
0x112: {  	s28 =	simm.s32 $0x4;
	(erf) = vpow2.f32 v11;
	v10 =	vor.u32 v8, v7;
	v11 =	vld.idx.msk [tilespmem:v6+s18+$0x0], $0xffff;
	v6 =	vnsel vm0, $0x0, v9  }
0x113: {  	v7 =	vmov s28;
	v9 =	vsub.f32 $0.0e+00, v13;
	v15 =	vmin.u32 v6, $0xFFF  }
0x114: {  	v6 =	vand.u32 $0x7F, v7  }
0x115: {  	s28 =	simm.s32 $0x5;
	v6 =	vbroadcast v6, $0x0;
	v13 =	vmin.f32 v4, $1.000000000e+01;
	v9 =	vmul.f32 v9, v2  }
0x116: {  	v18 =	vmov s28;
	v16 =	vsub.f32 v13, v1  }
0x117: {  	v13 =	vor.u32 v8, v6;
	vm0 =	vgt.s32 v11, $0x0;
	v17 =	vmul.f32 $1.442695020e+00, v9;
	v6 =	vld.idx.msk [tilespmem:v10+s19+$0x0], $0xffff  }
0x118: {  	v16 =	vmul.f32 v16, v16;
	v11 =	vnsel vm0, $0x0, v11;
	v9 =	vld.idx.msk [tilespmem:v15+s20+$0x0], $0xffff;
	v15 =	vand.u32 $0x7F, v18  }
0x119: {  	v12 =	vld.idx.msk [tilespmem:v12+s18+$0x0], $0xffff;
	v11 =	vmin.u32 v11, $0xFFF;
	(erf) = vpow2.f32 v17  }
0x11a: {  	v7 =	vimm.f32 $0.0e+00;
	v16 =	vsub.f32 $0.0e+00, v16  }
0x11b: {  	s28 =	simm.s32 $0x6;
	vm0 =	vlt.f32 v14, $9.999899860e+00;
	v14 =	vmov v13;
	v17 =	vbroadcast v15, $0x0;
	v15 =	vpop (erf)  }
.LBB2_13:
0x11c: {  	p0 =	sne.s32 s28, $0x3F;
	v18 =	vmin.f32 v6, $1.000000000e+01;
	v16 =	vmul.f32 v16, v2;
	v15 =	vnsel vm0, $0x0, v15;
	v19 =	vmovc v4;
	v4 =	vmovc v6  }
0x11d: {  	v6 =	vld.idx.msk [tilespmem:v13+s19+$0x0], $0xffff;
	v18 =	vsub.f32 v18, v1;
	v15 =	vmul.f32 v15, v9  }
.Ltmp5:
0x11e: {  	v13 =	vor.u32 v8, v17;
	vm0 =	vgt.s32 v12, $0x0;
	v16 =	vmul.f32 $1.442695020e+00, v16;
	v9 =	vld.idx.msk [tilespmem:v11+s20+$0x0], $0xffff;
	(pc) =	sbr.rel @p0 .LBB2_13-.Ltmp5, $4  }
0x11f: {  	v11 =	vnsel vm0, $0x0, v12;
	v17 =	vmul.f32 v18, v18;
	v12 =	vld.idx.msk [tilespmem:v10+s18+$0x0], $0xffff;
	v7 =	vadd.f32 v15, v7;
	v10 =	vmovc v14  }
0x120: {  	v20 =	vmov s28;
	v11 =	vmin.u32 v11, $0xFFF;
	v14 =	vmovc v13;
	(erf) = vpow2.f32 v16  }
0x121: {  	v18 =	vand.u32 $0x7F, v20;
	v16 =	vsub.f32 $0.0e+00, v17  }
0x122: {  	s28 =	sadd.s32 $0x1, s28;
	vm0 =	vlt.f32 v5, $9.999899860e+00;
	v5 =	vmov v19;
	v17 =	vbroadcast v18, $0x0;
	v15 =	vpop (erf)  }
0x123: {  	_ = 	snop  }
0x124: {  	v8 =	vor.u32 v8, v17;
	_ =	sdelay $0x2  }
0x125: {  	v13 =	vld.idx.msk [tilespmem:v13+s19+$0x0], $0xffff;
	_ =	sdelay $0x1  }
0x126: {  	v42 =	vmin.f32 v6, $1.000000000e+01;
	v18 =	vld.idx.msk [tilespmem:v8+s19+$0x0], $0xffff  }
0x127: {  	v17 =	vsub.f32 v42, v1;
	_ =	sdelay $0x1  }
0x128: {  	v17 =	vmul.f32 v17, v17;
	v19 =	vmin.f32 v13, $1.000000000e+01  }
0x129: {  	v19 =	vsub.f32 v19, v1  }
0x12a: {  	v17 =	vsub.f32 $0.0e+00, v17;
	v20 =	vmin.f32 v18, $1.000000000e+01  }
0x12b: {  	v16 =	vmul.f32 v16, v2;
	v10 =	vld.idx.msk [tilespmem:v10+s18+$0x0], $0xffff;
	v19 =	vmul.f32 v19, v19;
	v20 =	vsub.f32 v20, v1  }
0x12c: {  	vm1 =	vgt.s32 v12, $0x0;
	v17 =	vmul.f32 v17, v2  }
0x12d: {  	v14 =	vld.idx.msk [tilespmem:v14+s18+$0x0], $0xffff;
	v16 =	vmul.f32 $1.442695020e+00, v16;
	v19 =	vsub.f32 $0.0e+00, v19;
	v20 =	vmul.f32 v20, v20  }
0x12e: {  	v12 =	vnsel vm1, $0x0, v12;
	v43 =	vmul.f32 $1.442695020e+00, v17  }
0x12f: {  	(erf) = vpow2.f32 v16;
	v8 =	vld.idx.msk [tilespmem:v8+s18+$0x0], $0xffff;
	v44 =	vmul.f32 v19, v2;
	v45 =	vsub.f32 $0.0e+00, v20  }
0x130: {  	v12 =	vmin.u32 v12, $0xFFF;
	vm8 =	vgt.s32 v10, $0x0;
	(erf) = vpow2.f32 v43  }
0x131: {  	v10 =	vnsel vm8, $0x0, v10;
	v46 =	vmul.f32 $1.442695020e+00, v44;
	v47 =	vmul.f32 v45, v2  }
0x132: {  	v15 =	vnsel vm0, $0x0, v15;
	vm9 =	vgt.s32 v14, $0x0;
	v10 =	vmin.u32 v10, $0xFFF  }
0x133: {  	v11 =	vld.idx.msk [tilespmem:v11+s20+$0x0], $0xffff;
	v14 =	vnsel vm9, $0x0, v14;
	(erf) = vpow2.f32 v46;
	v48 =	vmul.f32 $1.442695020e+00, v47  }
0x134: {  	s28 =	sadd.s32 s6, s25;
	vm11 =	vlt.f32 v5, $9.999899860e+00;
	v14 =	vmin.u32 v14, $0xFFF;
	vm10 =	vgt.s32 v8, $0x0  }
0x135: {  	v50 =	vmov s28;
	v49 =	vpop (erf);
	v12 =	vld.idx.msk [tilespmem:v12+s20+$0x0], $0xffff;
	v8 =	vnsel vm10, $0x0, v8;
	(erf) = vpow2.f32 v48  }
0x136: {  	v9 =	vmul.f32 v15, v9;
	v15 =	vshrl.u32 v50, $0x7;
	v8 =	vmin.u32 v8, $0xFFF  }
0x137: {  	vm12 =	vlt.f32 v4, $9.999899860e+00;
	v52 =	vshll.u32 v15, $0x7;
	v5 =	vnsel vm11, $0x0, v49;
	v51 =	vld.idx.msk [tilespmem:v10+s20+$0x0], $0xffff  }
0x138: {  	v7 =	vadd.f32 v9, v7;
	v54 =	vbroadcast v52, $0x0;
	v5 =	vmul.f32 v5, v11;
	v53 =	vpop (erf)  }
0x139: {  	v3 =	vand.u32 $0x7F, v3;
	vm13 =	vlt.f32 v6, $9.999899860e+00;
	v56 =	vld.idx.msk [tilespmem:v14+s20+$0x0], $0xffff;
	v55 =	vnsel vm12, $0x0, v53  }
0x13a: {  	v3 =	vor.u32 v3, v54;
	v5 =	vadd.f32 v5, v7;
	v7 =	vmul.f32 v55, v12;
	v57 =	vpop (erf)  }
0x13b: {  	v59 =	vld.idx.msk [tilespmem:v8+s20+$0x0], $0xffff;
	v58 =	vnsel vm13, $0x0, v57  }
0x13c: {  	vm14 =	vlt.f32 v13, $9.999899860e+00;
	v5 =	vadd.f32 v7, v5;
	v4 =	vmul.f32 v58, v51;
	v60 =	vpop (erf)  }
0x13d: {  	v7 =	vnsel vm14, $0x0, v60  }
0x13e: {  	vm15 =	vlt.f32 v18, $9.999899860e+00;
	v4 =	vadd.f32 v4, v5;
	v61 =	vmul.f32 v7, v56;
	v62 =	vpop (erf)  }
0x13f: {  	v3 =	vld.idx.msk [tilespmem:v3+s20+$0x0], $0xffff;
	v7 =	vnsel vm15, $0x0, v62  }
0x140: {  	s24 =	sadd.s32 $0x1, s24;
	v4 =	vadd.f32 v61, v4;
	v63 =	vmul.f32 v7, v59  }
0x141: {  	p0 =	sne.s32 s24, $0x10  }
.Ltmp6:
0x142: {  	v4 =	vadd.f32 v63, v4;
	(pc) =	sbr.rel @p0 .LBB2_12-.Ltmp6, $3  }
0x143: {  	_ = 	snop  }
0x144: {  	v3 =	vmul.f32 v3, v4;
	_ =	sdelay $0x1  }
0x145: {  	[tilespmem:s25+$0x12100] =	vst v3  }
0x146: {  	[hbm4b:s30+s16] =	stream.strided.scatter [tilespmem:s21], [sflag:$0x1], $0x100, s17, s16, $0x38;
	[tilespmem:$0x12200] =	vst v63  }
0x147: {  	_ =	swait.ge [sflag:s15], $0x100  }
0x148: {  	[sflag:s15] =	ssyncset.done $0x0  }
0x149: {  	s23 =	simm.s32 $0x0;
	s24 =	rddreg [dreg:$0xb];
	[sflag:s15] =	ssyncadd.s32 $0xFFFFFF00  }
0x14a: {  	[tilespmem:s18], [sflag:$0x1] =	stream.linear.gather [hbm4b:s24+s23], $0x8000, $0x38;
	[tilespmem:$0x12200] =	vst v63  }
0x14b: {  	_ =	swait.ge [sflag:s15], $0x8000  }
0x14c: {  	[sflag:s15] =	ssyncset.done $0x0  }
0x14d: {  	s28 =	rddreg [dreg:$0xc];
	[sflag:s15] =	ssyncadd.s32 $0xFFFF8000  }
0x14e: {  	[tilespmem:s19], [sflag:$0x1] =	stream.linear.gather [hbm4b:s28+s23], $0x8000, $0x38;
	[tilespmem:$0x12200] =	vst v63  }
0x14f: {  	_ =	swait.ge [sflag:s15], $0x8000  }
0x150: {  	[sflag:s15] =	ssyncset.done $0x0  }
0x151: {  	s24 =	simm.s32 $0x0;
	[sflag:s15] =	ssyncadd.s32 $0xFFFF8000  }
.LBB2_16:
0x152: {  	v3 =	vmov s23  }
0x153: {  	s25 =	sshll.u32 s24, $0x4;
	v4 =	vand.u32 $0x7F, v3  }
0x154: {  	v3 =	vor.u32 s25, v0;
	v4 =	vbroadcast v4, $0x0  }
0x155: {  	v8 =	vshll.u32 v3, $0x7  }
0x156: {  	v4 =	vor.u32 v8, v4;
	_ =	sdelay $0x1  }
0x157: {  	s28 =	simm.s32 $0x1  }
0x158: {  	v5 =	vmov s28  }
0x159: {  	v5 =	vand.u32 $0x7F, v5  }
0x15a: {  	v5 =	vbroadcast v5, $0x0;
	v14 =	vld.idx.msk [tilespmem:v4+s19+$0x0], $0xffff;
	_ =	sdelay $0x1  }
0x15b: {  	v6 =	vor.u32 v8, v5;
	_ =	sdelay $0x1  }
0x15c: {  	s28 =	simm.s32 $0x2  }
0x15d: {  	v7 =	vmov s28;
	v5 =	vmin.f32 v14, $1.000000000e+01  }
0x15e: {  	v9 =	vsub.f32 v5, v1;
	v5 =	vand.u32 $0x7F, v7  }
0x15f: {  	v7 =	vbroadcast v5, $0x0;
	v5 =	vld.idx.msk [tilespmem:v6+s19+$0x0], $0xffff  }
0x160: {  	v9 =	vmul.f32 v9, v9  }
0x161: {  	v12 =	vor.u32 v8, v7  }
0x162: {  	v7 =	vsub.f32 $0.0e+00, v9;
	v9 =	vld.idx.msk [tilespmem:v4+s18+$0x0], $0xffff  }
0x163: {  	s28 =	simm.s32 $0x3  }
0x164: {  	v4 =	vmul.f32 v7, v2;
	v7 =	vmov s28;
	v10 =	vmin.f32 v5, $1.000000000e+01  }
0x165: {  	v7 =	vand.u32 $0x7F, v7;
	v10 =	vsub.f32 v10, v1  }
0x166: {  	v11 =	vmul.f32 $1.442695020e+00, v4;
	v7 =	vbroadcast v7, $0x0;
	v4 =	vld.idx.msk [tilespmem:v12+s19+$0x0], $0xffff  }
0x167: {  	v13 =	vmul.f32 v10, v10;
	vm0 =	vgt.s32 v9, $0x0  }
0x168: {  	s28 =	simm.s32 $0x4;
	(erf) = vpow2.f32 v11;
	v10 =	vor.u32 v8, v7;
	v11 =	vld.idx.msk [tilespmem:v6+s18+$0x0], $0xffff;
	v6 =	vnsel vm0, $0x0, v9  }
0x169: {  	v7 =	vmov s28;
	v9 =	vsub.f32 $0.0e+00, v13;
	v15 =	vmin.u32 v6, $0xFFF  }
0x16a: {  	v6 =	vand.u32 $0x7F, v7  }
0x16b: {  	s28 =	simm.s32 $0x5;
	v6 =	vbroadcast v6, $0x0;
	v13 =	vmin.f32 v4, $1.000000000e+01;
	v9 =	vmul.f32 v9, v2  }
0x16c: {  	v18 =	vmov s28;
	v16 =	vsub.f32 v13, v1  }
0x16d: {  	v13 =	vor.u32 v8, v6;
	vm0 =	vgt.s32 v11, $0x0;
	v17 =	vmul.f32 $1.442695020e+00, v9;
	v6 =	vld.idx.msk [tilespmem:v10+s19+$0x0], $0xffff  }
0x16e: {  	v16 =	vmul.f32 v16, v16;
	v11 =	vnsel vm0, $0x0, v11;
	v9 =	vld.idx.msk [tilespmem:v15+s20+$0x0], $0xffff;
	v15 =	vand.u32 $0x7F, v18  }
0x16f: {  	v12 =	vld.idx.msk [tilespmem:v12+s18+$0x0], $0xffff;
	v11 =	vmin.u32 v11, $0xFFF;
	(erf) = vpow2.f32 v17  }
0x170: {  	v7 =	vimm.f32 $0.0e+00;
	v16 =	vsub.f32 $0.0e+00, v16  }
0x171: {  	s28 =	simm.s32 $0x6;
	vm0 =	vlt.f32 v14, $9.999899860e+00;
	v14 =	vmov v13;
	v17 =	vbroadcast v15, $0x0;
	v15 =	vpop (erf)  }
.LBB2_17:
0x172: {  	p0 =	sne.s32 s28, $0x3F;
	v18 =	vmin.f32 v6, $1.000000000e+01;
	v16 =	vmul.f32 v16, v2;
	v15 =	vnsel vm0, $0x0, v15;
	v19 =	vmovc v4;
	v4 =	vmovc v6  }
0x173: {  	v6 =	vld.idx.msk [tilespmem:v13+s19+$0x0], $0xffff;
	v18 =	vsub.f32 v18, v1;
	v15 =	vmul.f32 v15, v9  }
.Ltmp7:
0x174: {  	v13 =	vor.u32 v8, v17;
	vm0 =	vgt.s32 v12, $0x0;
	v16 =	vmul.f32 $1.442695020e+00, v16;
	v9 =	vld.idx.msk [tilespmem:v11+s20+$0x0], $0xffff;
	(pc) =	sbr.rel @p0 .LBB2_17-.Ltmp7, $4  }
0x175: {  	v11 =	vnsel vm0, $0x0, v12;
	v17 =	vmul.f32 v18, v18;
	v12 =	vld.idx.msk [tilespmem:v10+s18+$0x0], $0xffff;
	v7 =	vadd.f32 v15, v7;
	v10 =	vmovc v14  }
0x176: {  	v20 =	vmov s28;
	v11 =	vmin.u32 v11, $0xFFF;
	v14 =	vmovc v13;
	(erf) = vpow2.f32 v16  }
0x177: {  	v18 =	vand.u32 $0x7F, v20;
	v16 =	vsub.f32 $0.0e+00, v17  }
0x178: {  	s28 =	sadd.s32 $0x1, s28;
	vm0 =	vlt.f32 v5, $9.999899860e+00;
	v5 =	vmov v19;
	v17 =	vbroadcast v18, $0x0;
	v15 =	vpop (erf)  }
0x179: {  	_ = 	snop  }
0x17a: {  	v8 =	vor.u32 v8, v17;
	_ =	sdelay $0x2  }
0x17b: {  	v13 =	vld.idx.msk [tilespmem:v13+s19+$0x0], $0xffff;
	_ =	sdelay $0x1  }
0x17c: {  	v42 =	vmin.f32 v6, $1.000000000e+01;
	v18 =	vld.idx.msk [tilespmem:v8+s19+$0x0], $0xffff  }
0x17d: {  	v17 =	vsub.f32 v42, v1;
	_ =	sdelay $0x1  }
0x17e: {  	v17 =	vmul.f32 v17, v17;
	v19 =	vmin.f32 v13, $1.000000000e+01  }
0x17f: {  	v19 =	vsub.f32 v19, v1  }
0x180: {  	v17 =	vsub.f32 $0.0e+00, v17;
	v20 =	vmin.f32 v18, $1.000000000e+01  }
0x181: {  	v16 =	vmul.f32 v16, v2;
	v10 =	vld.idx.msk [tilespmem:v10+s18+$0x0], $0xffff;
	v19 =	vmul.f32 v19, v19;
	v20 =	vsub.f32 v20, v1  }
0x182: {  	vm1 =	vgt.s32 v12, $0x0;
	v17 =	vmul.f32 v17, v2  }
0x183: {  	v14 =	vld.idx.msk [tilespmem:v14+s18+$0x0], $0xffff;
	v16 =	vmul.f32 $1.442695020e+00, v16;
	v19 =	vsub.f32 $0.0e+00, v19;
	v20 =	vmul.f32 v20, v20  }
0x184: {  	v12 =	vnsel vm1, $0x0, v12;
	v43 =	vmul.f32 $1.442695020e+00, v17  }
0x185: {  	(erf) = vpow2.f32 v16;
	v8 =	vld.idx.msk [tilespmem:v8+s18+$0x0], $0xffff;
	v44 =	vmul.f32 v19, v2;
	v45 =	vsub.f32 $0.0e+00, v20  }
0x186: {  	v12 =	vmin.u32 v12, $0xFFF;
	vm8 =	vgt.s32 v10, $0x0;
	(erf) = vpow2.f32 v43  }
0x187: {  	v10 =	vnsel vm8, $0x0, v10;
	v46 =	vmul.f32 $1.442695020e+00, v44;
	v47 =	vmul.f32 v45, v2  }
0x188: {  	v15 =	vnsel vm0, $0x0, v15;
	vm9 =	vgt.s32 v14, $0x0;
	v10 =	vmin.u32 v10, $0xFFF  }
0x189: {  	v11 =	vld.idx.msk [tilespmem:v11+s20+$0x0], $0xffff;
	v14 =	vnsel vm9, $0x0, v14;
	(erf) = vpow2.f32 v46;
	v48 =	vmul.f32 $1.442695020e+00, v47  }
0x18a: {  	s28 =	sadd.s32 s7, s25;
	vm11 =	vlt.f32 v5, $9.999899860e+00;
	v14 =	vmin.u32 v14, $0xFFF;
	vm10 =	vgt.s32 v8, $0x0  }
0x18b: {  	v50 =	vmov s28;
	v49 =	vpop (erf);
	v12 =	vld.idx.msk [tilespmem:v12+s20+$0x0], $0xffff;
	v8 =	vnsel vm10, $0x0, v8;
	(erf) = vpow2.f32 v48  }
0x18c: {  	v9 =	vmul.f32 v15, v9;
	v15 =	vshrl.u32 v50, $0x7;
	v8 =	vmin.u32 v8, $0xFFF  }
0x18d: {  	vm12 =	vlt.f32 v4, $9.999899860e+00;
	v52 =	vshll.u32 v15, $0x7;
	v5 =	vnsel vm11, $0x0, v49;
	v51 =	vld.idx.msk [tilespmem:v10+s20+$0x0], $0xffff  }
0x18e: {  	v7 =	vadd.f32 v9, v7;
	v54 =	vbroadcast v52, $0x0;
	v5 =	vmul.f32 v5, v11;
	v53 =	vpop (erf)  }
0x18f: {  	v3 =	vand.u32 $0x7F, v3;
	vm13 =	vlt.f32 v6, $9.999899860e+00;
	v56 =	vld.idx.msk [tilespmem:v14+s20+$0x0], $0xffff;
	v55 =	vnsel vm12, $0x0, v53  }
0x190: {  	v3 =	vor.u32 v3, v54;
	v5 =	vadd.f32 v5, v7;
	v7 =	vmul.f32 v55, v12;
	v57 =	vpop (erf)  }
0x191: {  	v59 =	vld.idx.msk [tilespmem:v8+s20+$0x0], $0xffff;
	v58 =	vnsel vm13, $0x0, v57  }
0x192: {  	vm14 =	vlt.f32 v13, $9.999899860e+00;
	v5 =	vadd.f32 v7, v5;
	v4 =	vmul.f32 v58, v51;
	v60 =	vpop (erf)  }
0x193: {  	v7 =	vnsel vm14, $0x0, v60  }
0x194: {  	vm15 =	vlt.f32 v18, $9.999899860e+00;
	v4 =	vadd.f32 v4, v5;
	v61 =	vmul.f32 v7, v56;
	v62 =	vpop (erf)  }
0x195: {  	v3 =	vld.idx.msk [tilespmem:v3+s20+$0x0], $0xffff;
	v7 =	vnsel vm15, $0x0, v62  }
0x196: {  	s24 =	sadd.s32 $0x1, s24;
	v4 =	vadd.f32 v61, v4;
	v63 =	vmul.f32 v7, v59  }
0x197: {  	p0 =	sne.s32 s24, $0x10  }
.Ltmp8:
0x198: {  	v4 =	vadd.f32 v63, v4;
	(pc) =	sbr.rel @p0 .LBB2_16-.Ltmp8, $3  }
0x199: {  	_ = 	snop  }
0x19a: {  	v3 =	vmul.f32 v3, v4;
	_ =	sdelay $0x1  }
0x19b: {  	[tilespmem:s25+$0x12100] =	vst v3  }
0x19c: {  	[hbm4b:s31+s16] =	stream.strided.scatter [tilespmem:s21], [sflag:$0x1], $0x100, s17, s16, $0x38;
	[tilespmem:$0x12200] =	vst v63  }
0x19d: {  	_ =	swait.ge [sflag:s15], $0x100  }
0x19e: {  	[sflag:s15] =	ssyncset.done $0x0  }
0x19f: {  	s23 =	simm.s32 $0x0;
	s24 =	rddreg [dreg:$0xd];
	[sflag:s15] =	ssyncadd.s32 $0xFFFFFF00  }
0x1a0: {  	[tilespmem:s18], [sflag:$0x1] =	stream.linear.gather [hbm4b:s24+s23], $0x8000, $0x38;
	[tilespmem:$0x12200] =	vst v63  }
0x1a1: {  	_ =	swait.ge [sflag:s15], $0x8000  }
0x1a2: {  	[sflag:s15] =	ssyncset.done $0x0  }
0x1a3: {  	s28 =	rddreg [dreg:$0xe];
	[sflag:s15] =	ssyncadd.s32 $0xFFFF8000  }
0x1a4: {  	[tilespmem:s19], [sflag:$0x1] =	stream.linear.gather [hbm4b:s28+s23], $0x8000, $0x38;
	[tilespmem:$0x12200] =	vst v63  }
0x1a5: {  	_ =	swait.ge [sflag:s15], $0x8000  }
0x1a6: {  	[sflag:s15] =	ssyncset.done $0x0  }
0x1a7: {  	s24 =	simm.s32 $0x0;
	[sflag:s15] =	ssyncadd.s32 $0xFFFF8000  }
.LBB2_20:
0x1a8: {  	v3 =	vmov s23  }
0x1a9: {  	s25 =	sshll.u32 s24, $0x4;
	v4 =	vand.u32 $0x7F, v3  }
0x1aa: {  	v3 =	vor.u32 s25, v0;
	v4 =	vbroadcast v4, $0x0  }
0x1ab: {  	v8 =	vshll.u32 v3, $0x7  }
0x1ac: {  	v4 =	vor.u32 v8, v4;
	_ =	sdelay $0x1  }
0x1ad: {  	s28 =	simm.s32 $0x1  }
0x1ae: {  	v5 =	vmov s28  }
0x1af: {  	v5 =	vand.u32 $0x7F, v5  }
0x1b0: {  	v5 =	vbroadcast v5, $0x0;
	v14 =	vld.idx.msk [tilespmem:v4+s19+$0x0], $0xffff;
	_ =	sdelay $0x1  }
0x1b1: {  	v6 =	vor.u32 v8, v5;
	_ =	sdelay $0x1  }
0x1b2: {  	s28 =	simm.s32 $0x2  }
0x1b3: {  	v7 =	vmov s28;
	v5 =	vmin.f32 v14, $1.000000000e+01  }
0x1b4: {  	v9 =	vsub.f32 v5, v1;
	v5 =	vand.u32 $0x7F, v7  }
0x1b5: {  	v7 =	vbroadcast v5, $0x0;
	v5 =	vld.idx.msk [tilespmem:v6+s19+$0x0], $0xffff  }
0x1b6: {  	v9 =	vmul.f32 v9, v9  }
0x1b7: {  	v12 =	vor.u32 v8, v7  }
0x1b8: {  	v7 =	vsub.f32 $0.0e+00, v9;
	v9 =	vld.idx.msk [tilespmem:v4+s18+$0x0], $0xffff  }
0x1b9: {  	s28 =	simm.s32 $0x3  }
0x1ba: {  	v4 =	vmul.f32 v7, v2;
	v7 =	vmov s28;
	v10 =	vmin.f32 v5, $1.000000000e+01  }
0x1bb: {  	v7 =	vand.u32 $0x7F, v7;
	v10 =	vsub.f32 v10, v1  }
0x1bc: {  	v11 =	vmul.f32 $1.442695020e+00, v4;
	v7 =	vbroadcast v7, $0x0;
	v4 =	vld.idx.msk [tilespmem:v12+s19+$0x0], $0xffff  }
0x1bd: {  	v13 =	vmul.f32 v10, v10;
	vm0 =	vgt.s32 v9, $0x0  }
0x1be: {  	s28 =	simm.s32 $0x4;
	(erf) = vpow2.f32 v11;
	v10 =	vor.u32 v8, v7;
	v11 =	vld.idx.msk [tilespmem:v6+s18+$0x0], $0xffff;
	v6 =	vnsel vm0, $0x0, v9  }
0x1bf: {  	v7 =	vmov s28;
	v9 =	vsub.f32 $0.0e+00, v13;
	v15 =	vmin.u32 v6, $0xFFF  }
0x1c0: {  	v6 =	vand.u32 $0x7F, v7  }
0x1c1: {  	s28 =	simm.s32 $0x5;
	v6 =	vbroadcast v6, $0x0;
	v13 =	vmin.f32 v4, $1.000000000e+01;
	v9 =	vmul.f32 v9, v2  }
0x1c2: {  	v18 =	vmov s28;
	v16 =	vsub.f32 v13, v1  }
0x1c3: {  	v13 =	vor.u32 v8, v6;
	vm0 =	vgt.s32 v11, $0x0;
	v17 =	vmul.f32 $1.442695020e+00, v9;
	v6 =	vld.idx.msk [tilespmem:v10+s19+$0x0], $0xffff  }
0x1c4: {  	v16 =	vmul.f32 v16, v16;
	v11 =	vnsel vm0, $0x0, v11;
	v9 =	vld.idx.msk [tilespmem:v15+s20+$0x0], $0xffff;
	v15 =	vand.u32 $0x7F, v18  }
0x1c5: {  	v12 =	vld.idx.msk [tilespmem:v12+s18+$0x0], $0xffff;
	v11 =	vmin.u32 v11, $0xFFF;
	(erf) = vpow2.f32 v17  }
0x1c6: {  	v7 =	vimm.f32 $0.0e+00;
	v16 =	vsub.f32 $0.0e+00, v16  }
0x1c7: {  	s28 =	simm.s32 $0x6;
	vm0 =	vlt.f32 v14, $9.999899860e+00;
	v14 =	vmov v13;
	v17 =	vbroadcast v15, $0x0;
	v15 =	vpop (erf)  }
.LBB2_21:
0x1c8: {  	p0 =	sne.s32 s28, $0x3F;
	v18 =	vmin.f32 v6, $1.000000000e+01;
	v16 =	vmul.f32 v16, v2;
	v15 =	vnsel vm0, $0x0, v15;
	v19 =	vmovc v4;
	v4 =	vmovc v6  }
0x1c9: {  	v6 =	vld.idx.msk [tilespmem:v13+s19+$0x0], $0xffff;
	v18 =	vsub.f32 v18, v1;
	v15 =	vmul.f32 v15, v9  }
.Ltmp9:
0x1ca: {  	v13 =	vor.u32 v8, v17;
	vm0 =	vgt.s32 v12, $0x0;
	v16 =	vmul.f32 $1.442695020e+00, v16;
	v9 =	vld.idx.msk [tilespmem:v11+s20+$0x0], $0xffff;
	(pc) =	sbr.rel @p0 .LBB2_21-.Ltmp9, $4  }
0x1cb: {  	v11 =	vnsel vm0, $0x0, v12;
	v17 =	vmul.f32 v18, v18;
	v12 =	vld.idx.msk [tilespmem:v10+s18+$0x0], $0xffff;
	v7 =	vadd.f32 v15, v7;
	v10 =	vmovc v14  }
0x1cc: {  	v20 =	vmov s28;
	v11 =	vmin.u32 v11, $0xFFF;
	v14 =	vmovc v13;
	(erf) = vpow2.f32 v16  }
0x1cd: {  	v18 =	vand.u32 $0x7F, v20;
	v16 =	vsub.f32 $0.0e+00, v17  }
0x1ce: {  	s28 =	sadd.s32 $0x1, s28;
	vm0 =	vlt.f32 v5, $9.999899860e+00;
	v5 =	vmov v19;
	v17 =	vbroadcast v18, $0x0;
	v15 =	vpop (erf)  }
0x1cf: {  	_ = 	snop  }
0x1d0: {  	v8 =	vor.u32 v8, v17;
	_ =	sdelay $0x2  }
0x1d1: {  	v13 =	vld.idx.msk [tilespmem:v13+s19+$0x0], $0xffff;
	_ =	sdelay $0x1  }
0x1d2: {  	v42 =	vmin.f32 v6, $1.000000000e+01;
	v18 =	vld.idx.msk [tilespmem:v8+s19+$0x0], $0xffff  }
0x1d3: {  	v17 =	vsub.f32 v42, v1;
	_ =	sdelay $0x1  }
0x1d4: {  	v17 =	vmul.f32 v17, v17;
	v19 =	vmin.f32 v13, $1.000000000e+01  }
0x1d5: {  	v19 =	vsub.f32 v19, v1  }
0x1d6: {  	v17 =	vsub.f32 $0.0e+00, v17;
	v20 =	vmin.f32 v18, $1.000000000e+01  }
0x1d7: {  	v16 =	vmul.f32 v16, v2;
	v10 =	vld.idx.msk [tilespmem:v10+s18+$0x0], $0xffff;
	v19 =	vmul.f32 v19, v19;
	v20 =	vsub.f32 v20, v1  }
0x1d8: {  	vm1 =	vgt.s32 v12, $0x0;
	v17 =	vmul.f32 v17, v2  }
0x1d9: {  	v14 =	vld.idx.msk [tilespmem:v14+s18+$0x0], $0xffff;
	v16 =	vmul.f32 $1.442695020e+00, v16;
	v19 =	vsub.f32 $0.0e+00, v19;
	v20 =	vmul.f32 v20, v20  }
0x1da: {  	v12 =	vnsel vm1, $0x0, v12;
	v43 =	vmul.f32 $1.442695020e+00, v17  }
0x1db: {  	(erf) = vpow2.f32 v16;
	v8 =	vld.idx.msk [tilespmem:v8+s18+$0x0], $0xffff;
	v44 =	vmul.f32 v19, v2;
	v45 =	vsub.f32 $0.0e+00, v20  }
0x1dc: {  	v12 =	vmin.u32 v12, $0xFFF;
	vm8 =	vgt.s32 v10, $0x0;
	(erf) = vpow2.f32 v43  }
0x1dd: {  	v10 =	vnsel vm8, $0x0, v10;
	v46 =	vmul.f32 $1.442695020e+00, v44;
	v47 =	vmul.f32 v45, v2  }
0x1de: {  	v15 =	vnsel vm0, $0x0, v15;
	vm9 =	vgt.s32 v14, $0x0;
	v10 =	vmin.u32 v10, $0xFFF  }
0x1df: {  	v11 =	vld.idx.msk [tilespmem:v11+s20+$0x0], $0xffff;
	v14 =	vnsel vm9, $0x0, v14;
	(erf) = vpow2.f32 v46;
	v48 =	vmul.f32 $1.442695020e+00, v47  }
0x1e0: {  	s28 =	sadd.s32 s8, s25;
	vm11 =	vlt.f32 v5, $9.999899860e+00;
	v14 =	vmin.u32 v14, $0xFFF;
	vm10 =	vgt.s32 v8, $0x0  }
0x1e1: {  	v50 =	vmov s28;
	v49 =	vpop (erf);
	v12 =	vld.idx.msk [tilespmem:v12+s20+$0x0], $0xffff;
	v8 =	vnsel vm10, $0x0, v8;
	(erf) = vpow2.f32 v48  }
0x1e2: {  	v9 =	vmul.f32 v15, v9;
	v15 =	vshrl.u32 v50, $0x7;
	v8 =	vmin.u32 v8, $0xFFF  }
0x1e3: {  	vm12 =	vlt.f32 v4, $9.999899860e+00;
	v52 =	vshll.u32 v15, $0x7;
	v5 =	vnsel vm11, $0x0, v49;
	v51 =	vld.idx.msk [tilespmem:v10+s20+$0x0], $0xffff  }
0x1e4: {  	v7 =	vadd.f32 v9, v7;
	v54 =	vbroadcast v52, $0x0;
	v5 =	vmul.f32 v5, v11;
	v53 =	vpop (erf)  }
0x1e5: {  	v3 =	vand.u32 $0x7F, v3;
	vm13 =	vlt.f32 v6, $9.999899860e+00;
	v56 =	vld.idx.msk [tilespmem:v14+s20+$0x0], $0xffff;
	v55 =	vnsel vm12, $0x0, v53  }
0x1e6: {  	v3 =	vor.u32 v3, v54;
	v5 =	vadd.f32 v5, v7;
	v7 =	vmul.f32 v55, v12;
	v57 =	vpop (erf)  }
0x1e7: {  	v59 =	vld.idx.msk [tilespmem:v8+s20+$0x0], $0xffff;
	v58 =	vnsel vm13, $0x0, v57  }
0x1e8: {  	vm14 =	vlt.f32 v13, $9.999899860e+00;
	v5 =	vadd.f32 v7, v5;
	v4 =	vmul.f32 v58, v51;
	v60 =	vpop (erf)  }
0x1e9: {  	v7 =	vnsel vm14, $0x0, v60  }
0x1ea: {  	vm15 =	vlt.f32 v18, $9.999899860e+00;
	v4 =	vadd.f32 v4, v5;
	v61 =	vmul.f32 v7, v56;
	v62 =	vpop (erf)  }
0x1eb: {  	v3 =	vld.idx.msk [tilespmem:v3+s20+$0x0], $0xffff;
	v7 =	vnsel vm15, $0x0, v62  }
0x1ec: {  	s24 =	sadd.s32 $0x1, s24;
	v4 =	vadd.f32 v61, v4;
	v63 =	vmul.f32 v7, v59  }
0x1ed: {  	p0 =	sne.s32 s24, $0x10  }
.Ltmp10:
0x1ee: {  	v4 =	vadd.f32 v63, v4;
	(pc) =	sbr.rel @p0 .LBB2_20-.Ltmp10, $3  }
0x1ef: {  	_ = 	snop  }
0x1f0: {  	v3 =	vmul.f32 v3, v4;
	_ =	sdelay $0x1  }
0x1f1: {  	[tilespmem:s25+$0x12100] =	vst v3  }
0x1f2: {  	[hbm4b:s0+s16] =	stream.strided.scatter [tilespmem:s21], [sflag:$0x1], $0x100, s17, s16, $0x38;
	[tilespmem:$0x12200] =	vst v63  }
0x1f3: {  	_ =	swait.ge [sflag:s15], $0x100  }
0x1f4: {  	[sflag:s15] =	ssyncset.done $0x0  }
0x1f5: {  	s23 =	simm.s32 $0x0;
	s24 =	rddreg [dreg:$0xf];
	[sflag:s15] =	ssyncadd.s32 $0xFFFFFF00  }
0x1f6: {  	[tilespmem:s18], [sflag:$0x1] =	stream.linear.gather [hbm4b:s24+s23], $0x8000, $0x38;
	[tilespmem:$0x12200] =	vst v63  }
0x1f7: {  	_ =	swait.ge [sflag:s15], $0x8000  }
0x1f8: {  	[sflag:s15] =	ssyncset.done $0x0  }
0x1f9: {  	s28 =	rddreg [dreg:$0x10];
	[sflag:s15] =	ssyncadd.s32 $0xFFFF8000  }
0x1fa: {  	[tilespmem:s19], [sflag:$0x1] =	stream.linear.gather [hbm4b:s28+s23], $0x8000, $0x38;
	[tilespmem:$0x12200] =	vst v63  }
0x1fb: {  	_ =	swait.ge [sflag:s15], $0x8000  }
0x1fc: {  	[sflag:s15] =	ssyncset.done $0x0  }
0x1fd: {  	s24 =	simm.s32 $0x0;
	[sflag:s15] =	ssyncadd.s32 $0xFFFF8000  }
.LBB2_24:
0x1fe: {  	v3 =	vmov s23  }
0x1ff: {  	s25 =	sshll.u32 s24, $0x4;
	v4 =	vand.u32 $0x7F, v3  }
0x200: {  	v3 =	vor.u32 s25, v0;
	v4 =	vbroadcast v4, $0x0  }
0x201: {  	v8 =	vshll.u32 v3, $0x7  }
0x202: {  	v4 =	vor.u32 v8, v4;
	_ =	sdelay $0x1  }
0x203: {  	s28 =	simm.s32 $0x1  }
0x204: {  	v5 =	vmov s28  }
0x205: {  	v5 =	vand.u32 $0x7F, v5  }
0x206: {  	v5 =	vbroadcast v5, $0x0;
	v14 =	vld.idx.msk [tilespmem:v4+s19+$0x0], $0xffff;
	_ =	sdelay $0x1  }
0x207: {  	v6 =	vor.u32 v8, v5;
	_ =	sdelay $0x1  }
0x208: {  	s28 =	simm.s32 $0x2  }
0x209: {  	v7 =	vmov s28;
	v5 =	vmin.f32 v14, $1.000000000e+01  }
0x20a: {  	v9 =	vsub.f32 v5, v1;
	v5 =	vand.u32 $0x7F, v7  }
0x20b: {  	v7 =	vbroadcast v5, $0x0;
	v5 =	vld.idx.msk [tilespmem:v6+s19+$0x0], $0xffff  }
0x20c: {  	v9 =	vmul.f32 v9, v9  }
0x20d: {  	v12 =	vor.u32 v8, v7  }
0x20e: {  	v7 =	vsub.f32 $0.0e+00, v9;
	v9 =	vld.idx.msk [tilespmem:v4+s18+$0x0], $0xffff  }
0x20f: {  	s28 =	simm.s32 $0x3  }
0x210: {  	v4 =	vmul.f32 v7, v2;
	v7 =	vmov s28;
	v10 =	vmin.f32 v5, $1.000000000e+01  }
0x211: {  	v7 =	vand.u32 $0x7F, v7;
	v10 =	vsub.f32 v10, v1  }
0x212: {  	v11 =	vmul.f32 $1.442695020e+00, v4;
	v7 =	vbroadcast v7, $0x0;
	v4 =	vld.idx.msk [tilespmem:v12+s19+$0x0], $0xffff  }
0x213: {  	v13 =	vmul.f32 v10, v10;
	vm0 =	vgt.s32 v9, $0x0  }
0x214: {  	s28 =	simm.s32 $0x4;
	(erf) = vpow2.f32 v11;
	v10 =	vor.u32 v8, v7;
	v11 =	vld.idx.msk [tilespmem:v6+s18+$0x0], $0xffff;
	v6 =	vnsel vm0, $0x0, v9  }
0x215: {  	v7 =	vmov s28;
	v9 =	vsub.f32 $0.0e+00, v13;
	v15 =	vmin.u32 v6, $0xFFF  }
0x216: {  	v6 =	vand.u32 $0x7F, v7  }
0x217: {  	s28 =	simm.s32 $0x5;
	v6 =	vbroadcast v6, $0x0;
	v13 =	vmin.f32 v4, $1.000000000e+01;
	v9 =	vmul.f32 v9, v2  }
0x218: {  	v18 =	vmov s28;
	v16 =	vsub.f32 v13, v1  }
0x219: {  	v13 =	vor.u32 v8, v6;
	vm0 =	vgt.s32 v11, $0x0;
	v17 =	vmul.f32 $1.442695020e+00, v9;
	v6 =	vld.idx.msk [tilespmem:v10+s19+$0x0], $0xffff  }
0x21a: {  	v16 =	vmul.f32 v16, v16;
	v11 =	vnsel vm0, $0x0, v11;
	v9 =	vld.idx.msk [tilespmem:v15+s20+$0x0], $0xffff;
	v15 =	vand.u32 $0x7F, v18  }
0x21b: {  	v12 =	vld.idx.msk [tilespmem:v12+s18+$0x0], $0xffff;
	v11 =	vmin.u32 v11, $0xFFF;
	(erf) = vpow2.f32 v17  }
0x21c: {  	v7 =	vimm.f32 $0.0e+00;
	v16 =	vsub.f32 $0.0e+00, v16  }
0x21d: {  	s28 =	simm.s32 $0x6;
	vm0 =	vlt.f32 v14, $9.999899860e+00;
	v14 =	vmov v13;
	v17 =	vbroadcast v15, $0x0;
	v15 =	vpop (erf)  }
.LBB2_25:
0x21e: {  	p0 =	sne.s32 s28, $0x3F;
	v18 =	vmin.f32 v6, $1.000000000e+01;
	v16 =	vmul.f32 v16, v2;
	v15 =	vnsel vm0, $0x0, v15;
	v19 =	vmovc v4;
	v4 =	vmovc v6  }
0x21f: {  	v6 =	vld.idx.msk [tilespmem:v13+s19+$0x0], $0xffff;
	v18 =	vsub.f32 v18, v1;
	v15 =	vmul.f32 v15, v9  }
.Ltmp11:
0x220: {  	v13 =	vor.u32 v8, v17;
	vm0 =	vgt.s32 v12, $0x0;
	v16 =	vmul.f32 $1.442695020e+00, v16;
	v9 =	vld.idx.msk [tilespmem:v11+s20+$0x0], $0xffff;
	(pc) =	sbr.rel @p0 .LBB2_25-.Ltmp11, $4  }
0x221: {  	v11 =	vnsel vm0, $0x0, v12;
	v17 =	vmul.f32 v18, v18;
	v12 =	vld.idx.msk [tilespmem:v10+s18+$0x0], $0xffff;
	v7 =	vadd.f32 v15, v7;
	v10 =	vmovc v14  }
0x222: {  	v20 =	vmov s28;
	v11 =	vmin.u32 v11, $0xFFF;
	v14 =	vmovc v13;
	(erf) = vpow2.f32 v16  }
0x223: {  	v18 =	vand.u32 $0x7F, v20;
	v16 =	vsub.f32 $0.0e+00, v17  }
0x224: {  	s28 =	sadd.s32 $0x1, s28;
	vm0 =	vlt.f32 v5, $9.999899860e+00;
	v5 =	vmov v19;
	v17 =	vbroadcast v18, $0x0;
	v15 =	vpop (erf)  }
0x225: {  	_ = 	snop  }
0x226: {  	v8 =	vor.u32 v8, v17;
	_ =	sdelay $0x2  }
0x227: {  	v13 =	vld.idx.msk [tilespmem:v13+s19+$0x0], $0xffff;
	_ =	sdelay $0x1  }
0x228: {  	v42 =	vmin.f32 v6, $1.000000000e+01;
	v18 =	vld.idx.msk [tilespmem:v8+s19+$0x0], $0xffff  }
0x229: {  	v17 =	vsub.f32 v42, v1;
	_ =	sdelay $0x1  }
0x22a: {  	v17 =	vmul.f32 v17, v17;
	v19 =	vmin.f32 v13, $1.000000000e+01  }
0x22b: {  	v19 =	vsub.f32 v19, v1  }
0x22c: {  	v17 =	vsub.f32 $0.0e+00, v17;
	v20 =	vmin.f32 v18, $1.000000000e+01  }
0x22d: {  	v16 =	vmul.f32 v16, v2;
	v10 =	vld.idx.msk [tilespmem:v10+s18+$0x0], $0xffff;
	v19 =	vmul.f32 v19, v19;
	v20 =	vsub.f32 v20, v1  }
0x22e: {  	vm1 =	vgt.s32 v12, $0x0;
	v17 =	vmul.f32 v17, v2  }
0x22f: {  	v14 =	vld.idx.msk [tilespmem:v14+s18+$0x0], $0xffff;
	v16 =	vmul.f32 $1.442695020e+00, v16;
	v19 =	vsub.f32 $0.0e+00, v19;
	v20 =	vmul.f32 v20, v20  }
0x230: {  	v12 =	vnsel vm1, $0x0, v12;
	v43 =	vmul.f32 $1.442695020e+00, v17  }
0x231: {  	(erf) = vpow2.f32 v16;
	v8 =	vld.idx.msk [tilespmem:v8+s18+$0x0], $0xffff;
	v44 =	vmul.f32 v19, v2;
	v45 =	vsub.f32 $0.0e+00, v20  }
0x232: {  	v12 =	vmin.u32 v12, $0xFFF;
	vm8 =	vgt.s32 v10, $0x0;
	(erf) = vpow2.f32 v43  }
0x233: {  	v10 =	vnsel vm8, $0x0, v10;
	v46 =	vmul.f32 $1.442695020e+00, v44;
	v47 =	vmul.f32 v45, v2  }
0x234: {  	v15 =	vnsel vm0, $0x0, v15;
	vm9 =	vgt.s32 v14, $0x0;
	v10 =	vmin.u32 v10, $0xFFF  }
0x235: {  	v11 =	vld.idx.msk [tilespmem:v11+s20+$0x0], $0xffff;
	v14 =	vnsel vm9, $0x0, v14;
	(erf) = vpow2.f32 v46;
	v48 =	vmul.f32 $1.442695020e+00, v47  }
0x236: {  	s28 =	sadd.s32 s9, s25;
	vm11 =	vlt.f32 v5, $9.999899860e+00;
	v14 =	vmin.u32 v14, $0xFFF;
	vm10 =	vgt.s32 v8, $0x0  }
0x237: {  	v50 =	vmov s28;
	v49 =	vpop (erf);
	v12 =	vld.idx.msk [tilespmem:v12+s20+$0x0], $0xffff;
	v8 =	vnsel vm10, $0x0, v8;
	(erf) = vpow2.f32 v48  }
0x238: {  	v9 =	vmul.f32 v15, v9;
	v15 =	vshrl.u32 v50, $0x7;
	v8 =	vmin.u32 v8, $0xFFF  }
0x239: {  	vm12 =	vlt.f32 v4, $9.999899860e+00;
	v52 =	vshll.u32 v15, $0x7;
	v5 =	vnsel vm11, $0x0, v49;
	v51 =	vld.idx.msk [tilespmem:v10+s20+$0x0], $0xffff  }
0x23a: {  	v7 =	vadd.f32 v9, v7;
	v54 =	vbroadcast v52, $0x0;
	v5 =	vmul.f32 v5, v11;
	v53 =	vpop (erf)  }
0x23b: {  	v3 =	vand.u32 $0x7F, v3;
	vm13 =	vlt.f32 v6, $9.999899860e+00;
	v56 =	vld.idx.msk [tilespmem:v14+s20+$0x0], $0xffff;
	v55 =	vnsel vm12, $0x0, v53  }
0x23c: {  	v3 =	vor.u32 v3, v54;
	v5 =	vadd.f32 v5, v7;
	v7 =	vmul.f32 v55, v12;
	v57 =	vpop (erf)  }
0x23d: {  	v59 =	vld.idx.msk [tilespmem:v8+s20+$0x0], $0xffff;
	v58 =	vnsel vm13, $0x0, v57  }
0x23e: {  	vm14 =	vlt.f32 v13, $9.999899860e+00;
	v5 =	vadd.f32 v7, v5;
	v4 =	vmul.f32 v58, v51;
	v60 =	vpop (erf)  }
0x23f: {  	v7 =	vnsel vm14, $0x0, v60  }
0x240: {  	vm15 =	vlt.f32 v18, $9.999899860e+00;
	v4 =	vadd.f32 v4, v5;
	v61 =	vmul.f32 v7, v56;
	v62 =	vpop (erf)  }
0x241: {  	v3 =	vld.idx.msk [tilespmem:v3+s20+$0x0], $0xffff;
	v7 =	vnsel vm15, $0x0, v62  }
0x242: {  	s24 =	sadd.s32 $0x1, s24;
	v4 =	vadd.f32 v61, v4;
	v63 =	vmul.f32 v7, v59  }
0x243: {  	p0 =	sne.s32 s24, $0x10  }
.Ltmp12:
0x244: {  	v4 =	vadd.f32 v63, v4;
	(pc) =	sbr.rel @p0 .LBB2_24-.Ltmp12, $3  }
0x245: {  	_ = 	snop  }
0x246: {  	v3 =	vmul.f32 v3, v4;
	_ =	sdelay $0x1  }
0x247: {  	[tilespmem:s25+$0x12100] =	vst v3  }
0x248: {  	[hbm4b:s3+s16] =	stream.strided.scatter [tilespmem:s21], [sflag:$0x1], $0x100, s17, s16, $0x38;
	[tilespmem:$0x12200] =	vst v63  }
0x249: {  	_ =	swait.ge [sflag:s15], $0x100  }
0x24a: {  	[sflag:s15] =	ssyncset.done $0x0  }
0x24b: {  	s23 =	simm.s32 $0x0;
	s24 =	rddreg [dreg:$0x11];
	[sflag:s15] =	ssyncadd.s32 $0xFFFFFF00  }
0x24c: {  	[tilespmem:s18], [sflag:$0x1] =	stream.linear.gather [hbm4b:s24+s23], $0x8000, $0x38;
	[tilespmem:$0x12200] =	vst v63  }
0x24d: {  	_ =	swait.ge [sflag:s15], $0x8000  }
0x24e: {  	[sflag:s15] =	ssyncset.done $0x0  }
0x24f: {  	s28 =	rddreg [dreg:$0x12];
	[sflag:s15] =	ssyncadd.s32 $0xFFFF8000  }
0x250: {  	[tilespmem:s19], [sflag:$0x1] =	stream.linear.gather [hbm4b:s28+s23], $0x8000, $0x38;
	[tilespmem:$0x12200] =	vst v63  }
0x251: {  	_ =	swait.ge [sflag:s15], $0x8000  }
0x252: {  	[sflag:s15] =	ssyncset.done $0x0  }
0x253: {  	s24 =	simm.s32 $0x0;
	[sflag:s15] =	ssyncadd.s32 $0xFFFF8000  }
.LBB2_28:
0x254: {  	v3 =	vmov s23  }
0x255: {  	s25 =	sshll.u32 s24, $0x4;
	v4 =	vand.u32 $0x7F, v3  }
0x256: {  	v3 =	vor.u32 s25, v0;
	v4 =	vbroadcast v4, $0x0  }
0x257: {  	v8 =	vshll.u32 v3, $0x7  }
0x258: {  	v4 =	vor.u32 v8, v4;
	_ =	sdelay $0x1  }
0x259: {  	s28 =	simm.s32 $0x1  }
0x25a: {  	v5 =	vmov s28  }
0x25b: {  	v5 =	vand.u32 $0x7F, v5  }
0x25c: {  	v5 =	vbroadcast v5, $0x0;
	v14 =	vld.idx.msk [tilespmem:v4+s19+$0x0], $0xffff;
	_ =	sdelay $0x1  }
0x25d: {  	v6 =	vor.u32 v8, v5;
	_ =	sdelay $0x1  }
0x25e: {  	s28 =	simm.s32 $0x2  }
0x25f: {  	v7 =	vmov s28;
	v5 =	vmin.f32 v14, $1.000000000e+01  }
0x260: {  	v9 =	vsub.f32 v5, v1;
	v5 =	vand.u32 $0x7F, v7  }
0x261: {  	v7 =	vbroadcast v5, $0x0;
	v5 =	vld.idx.msk [tilespmem:v6+s19+$0x0], $0xffff  }
0x262: {  	v9 =	vmul.f32 v9, v9  }
0x263: {  	v12 =	vor.u32 v8, v7  }
0x264: {  	v7 =	vsub.f32 $0.0e+00, v9;
	v9 =	vld.idx.msk [tilespmem:v4+s18+$0x0], $0xffff  }
0x265: {  	s28 =	simm.s32 $0x3  }
0x266: {  	v4 =	vmul.f32 v7, v2;
	v7 =	vmov s28;
	v10 =	vmin.f32 v5, $1.000000000e+01  }
0x267: {  	v7 =	vand.u32 $0x7F, v7;
	v10 =	vsub.f32 v10, v1  }
0x268: {  	v11 =	vmul.f32 $1.442695020e+00, v4;
	v7 =	vbroadcast v7, $0x0;
	v4 =	vld.idx.msk [tilespmem:v12+s19+$0x0], $0xffff  }
0x269: {  	v13 =	vmul.f32 v10, v10;
	vm0 =	vgt.s32 v9, $0x0  }
0x26a: {  	s28 =	simm.s32 $0x4;
	(erf) = vpow2.f32 v11;
	v10 =	vor.u32 v8, v7;
	v11 =	vld.idx.msk [tilespmem:v6+s18+$0x0], $0xffff;
	v6 =	vnsel vm0, $0x0, v9  }
0x26b: {  	v7 =	vmov s28;
	v9 =	vsub.f32 $0.0e+00, v13;
	v15 =	vmin.u32 v6, $0xFFF  }
0x26c: {  	v6 =	vand.u32 $0x7F, v7  }
0x26d: {  	s28 =	simm.s32 $0x5;
	v6 =	vbroadcast v6, $0x0;
	v13 =	vmin.f32 v4, $1.000000000e+01;
	v9 =	vmul.f32 v9, v2  }
0x26e: {  	v18 =	vmov s28;
	v16 =	vsub.f32 v13, v1  }
0x26f: {  	v13 =	vor.u32 v8, v6;
	vm0 =	vgt.s32 v11, $0x0;
	v17 =	vmul.f32 $1.442695020e+00, v9;
	v6 =	vld.idx.msk [tilespmem:v10+s19+$0x0], $0xffff  }
0x270: {  	v16 =	vmul.f32 v16, v16;
	v11 =	vnsel vm0, $0x0, v11;
	v9 =	vld.idx.msk [tilespmem:v15+s20+$0x0], $0xffff;
	v15 =	vand.u32 $0x7F, v18  }
0x271: {  	v12 =	vld.idx.msk [tilespmem:v12+s18+$0x0], $0xffff;
	v11 =	vmin.u32 v11, $0xFFF;
	(erf) = vpow2.f32 v17  }
0x272: {  	v7 =	vimm.f32 $0.0e+00;
	v16 =	vsub.f32 $0.0e+00, v16  }
0x273: {  	s28 =	simm.s32 $0x6;
	vm0 =	vlt.f32 v14, $9.999899860e+00;
	v14 =	vmov v13;
	v17 =	vbroadcast v15, $0x0;
	v15 =	vpop (erf)  }
.LBB2_29:
0x274: {  	p0 =	sne.s32 s28, $0x3F;
	v18 =	vmin.f32 v6, $1.000000000e+01;
	v16 =	vmul.f32 v16, v2;
	v15 =	vnsel vm0, $0x0, v15;
	v19 =	vmovc v4;
	v4 =	vmovc v6  }
0x275: {  	v6 =	vld.idx.msk [tilespmem:v13+s19+$0x0], $0xffff;
	v18 =	vsub.f32 v18, v1;
	v15 =	vmul.f32 v15, v9  }
.Ltmp13:
0x276: {  	v13 =	vor.u32 v8, v17;
	vm0 =	vgt.s32 v12, $0x0;
	v16 =	vmul.f32 $1.442695020e+00, v16;
	v9 =	vld.idx.msk [tilespmem:v11+s20+$0x0], $0xffff;
	(pc) =	sbr.rel @p0 .LBB2_29-.Ltmp13, $4  }
0x277: {  	v11 =	vnsel vm0, $0x0, v12;
	v17 =	vmul.f32 v18, v18;
	v12 =	vld.idx.msk [tilespmem:v10+s18+$0x0], $0xffff;
	v7 =	vadd.f32 v15, v7;
	v10 =	vmovc v14  }
0x278: {  	v20 =	vmov s28;
	v11 =	vmin.u32 v11, $0xFFF;
	v14 =	vmovc v13;
	(erf) = vpow2.f32 v16  }
0x279: {  	v18 =	vand.u32 $0x7F, v20;
	v16 =	vsub.f32 $0.0e+00, v17  }
0x27a: {  	s28 =	sadd.s32 $0x1, s28;
	vm0 =	vlt.f32 v5, $9.999899860e+00;
	v5 =	vmov v19;
	v17 =	vbroadcast v18, $0x0;
	v15 =	vpop (erf)  }
0x27b: {  	_ = 	snop  }
0x27c: {  	v8 =	vor.u32 v8, v17;
	_ =	sdelay $0x2  }
0x27d: {  	v13 =	vld.idx.msk [tilespmem:v13+s19+$0x0], $0xffff;
	_ =	sdelay $0x1  }
0x27e: {  	v42 =	vmin.f32 v6, $1.000000000e+01;
	v18 =	vld.idx.msk [tilespmem:v8+s19+$0x0], $0xffff  }
0x27f: {  	v17 =	vsub.f32 v42, v1;
	_ =	sdelay $0x1  }
0x280: {  	v17 =	vmul.f32 v17, v17;
	v19 =	vmin.f32 v13, $1.000000000e+01  }
0x281: {  	v19 =	vsub.f32 v19, v1  }
0x282: {  	v17 =	vsub.f32 $0.0e+00, v17;
	v20 =	vmin.f32 v18, $1.000000000e+01  }
0x283: {  	v16 =	vmul.f32 v16, v2;
	v10 =	vld.idx.msk [tilespmem:v10+s18+$0x0], $0xffff;
	v19 =	vmul.f32 v19, v19;
	v20 =	vsub.f32 v20, v1  }
0x284: {  	vm1 =	vgt.s32 v12, $0x0;
	v17 =	vmul.f32 v17, v2  }
0x285: {  	v14 =	vld.idx.msk [tilespmem:v14+s18+$0x0], $0xffff;
	v16 =	vmul.f32 $1.442695020e+00, v16;
	v19 =	vsub.f32 $0.0e+00, v19;
	v20 =	vmul.f32 v20, v20  }
0x286: {  	v12 =	vnsel vm1, $0x0, v12;
	v43 =	vmul.f32 $1.442695020e+00, v17  }
0x287: {  	(erf) = vpow2.f32 v16;
	v8 =	vld.idx.msk [tilespmem:v8+s18+$0x0], $0xffff;
	v44 =	vmul.f32 v19, v2;
	v45 =	vsub.f32 $0.0e+00, v20  }
0x288: {  	v12 =	vmin.u32 v12, $0xFFF;
	vm8 =	vgt.s32 v10, $0x0;
	(erf) = vpow2.f32 v43  }
0x289: {  	v10 =	vnsel vm8, $0x0, v10;
	v46 =	vmul.f32 $1.442695020e+00, v44;
	v47 =	vmul.f32 v45, v2  }
0x28a: {  	v15 =	vnsel vm0, $0x0, v15;
	vm9 =	vgt.s32 v14, $0x0;
	v10 =	vmin.u32 v10, $0xFFF  }
0x28b: {  	v11 =	vld.idx.msk [tilespmem:v11+s20+$0x0], $0xffff;
	v14 =	vnsel vm9, $0x0, v14;
	(erf) = vpow2.f32 v46;
	v48 =	vmul.f32 $1.442695020e+00, v47  }
0x28c: {  	s28 =	sadd.s32 s10, s25;
	vm11 =	vlt.f32 v5, $9.999899860e+00;
	v14 =	vmin.u32 v14, $0xFFF;
	vm10 =	vgt.s32 v8, $0x0  }
0x28d: {  	v50 =	vmov s28;
	v49 =	vpop (erf);
	v12 =	vld.idx.msk [tilespmem:v12+s20+$0x0], $0xffff;
	v8 =	vnsel vm10, $0x0, v8;
	(erf) = vpow2.f32 v48  }
0x28e: {  	v9 =	vmul.f32 v15, v9;
	v15 =	vshrl.u32 v50, $0x7;
	v8 =	vmin.u32 v8, $0xFFF  }
0x28f: {  	vm12 =	vlt.f32 v4, $9.999899860e+00;
	v52 =	vshll.u32 v15, $0x7;
	v5 =	vnsel vm11, $0x0, v49;
	v51 =	vld.idx.msk [tilespmem:v10+s20+$0x0], $0xffff  }
0x290: {  	v7 =	vadd.f32 v9, v7;
	v54 =	vbroadcast v52, $0x0;
	v5 =	vmul.f32 v5, v11;
	v53 =	vpop (erf)  }
0x291: {  	v3 =	vand.u32 $0x7F, v3;
	vm13 =	vlt.f32 v6, $9.999899860e+00;
	v56 =	vld.idx.msk [tilespmem:v14+s20+$0x0], $0xffff;
	v55 =	vnsel vm12, $0x0, v53  }
0x292: {  	v3 =	vor.u32 v3, v54;
	v5 =	vadd.f32 v5, v7;
	v7 =	vmul.f32 v55, v12;
	v57 =	vpop (erf)  }
0x293: {  	v59 =	vld.idx.msk [tilespmem:v8+s20+$0x0], $0xffff;
	v58 =	vnsel vm13, $0x0, v57  }
0x294: {  	vm14 =	vlt.f32 v13, $9.999899860e+00;
	v5 =	vadd.f32 v7, v5;
	v4 =	vmul.f32 v58, v51;
	v60 =	vpop (erf)  }
0x295: {  	v7 =	vnsel vm14, $0x0, v60  }
0x296: {  	vm15 =	vlt.f32 v18, $9.999899860e+00;
	v4 =	vadd.f32 v4, v5;
	v61 =	vmul.f32 v7, v56;
	v62 =	vpop (erf)  }
0x297: {  	v3 =	vld.idx.msk [tilespmem:v3+s20+$0x0], $0xffff;
	v7 =	vnsel vm15, $0x0, v62  }
0x298: {  	s24 =	sadd.s32 $0x1, s24;
	v4 =	vadd.f32 v61, v4;
	v63 =	vmul.f32 v7, v59  }
0x299: {  	p0 =	sne.s32 s24, $0x10  }
.Ltmp14:
0x29a: {  	v4 =	vadd.f32 v63, v4;
	(pc) =	sbr.rel @p0 .LBB2_28-.Ltmp14, $3  }
0x29b: {  	_ = 	snop  }
0x29c: {  	v3 =	vmul.f32 v3, v4;
	_ =	sdelay $0x1  }
0x29d: {  	[tilespmem:s25+$0x12100] =	vst v3  }
0x29e: {  	[hbm4b:s4+s16] =	stream.strided.scatter [tilespmem:s21], [sflag:$0x1], $0x100, s17, s16, $0x38;
	[tilespmem:$0x12200] =	vst v63  }
0x29f: {  	_ =	swait.ge [sflag:s15], $0x100  }
0x2a0: {  	[sflag:s15] =	ssyncset.done $0x0  }
0x2a1: {  	s23 =	simm.s32 $0x0;
	s24 =	rddreg [dreg:$0x13];
	[sflag:s15] =	ssyncadd.s32 $0xFFFFFF00  }
0x2a2: {  	[tilespmem:s18], [sflag:$0x1] =	stream.linear.gather [hbm4b:s24+s23], $0x8000, $0x38;
	[tilespmem:$0x12200] =	vst v63  }
0x2a3: {  	_ =	swait.ge [sflag:s15], $0x8000  }
0x2a4: {  	[sflag:s15] =	ssyncset.done $0x0  }
0x2a5: {  	s28 =	rddreg [dreg:$0x14];
	[sflag:s15] =	ssyncadd.s32 $0xFFFF8000  }
0x2a6: {  	[tilespmem:s19], [sflag:$0x1] =	stream.linear.gather [hbm4b:s28+s23], $0x8000, $0x38;
	[tilespmem:$0x12200] =	vst v63  }
0x2a7: {  	_ =	swait.ge [sflag:s15], $0x8000  }
0x2a8: {  	[sflag:s15] =	ssyncset.done $0x0  }
0x2a9: {  	s24 =	simm.s32 $0x0;
	[sflag:s15] =	ssyncadd.s32 $0xFFFF8000  }
.LBB2_32:
0x2aa: {  	v3 =	vmov s23  }
0x2ab: {  	s25 =	sshll.u32 s24, $0x4;
	v4 =	vand.u32 $0x7F, v3  }
0x2ac: {  	v3 =	vor.u32 s25, v0;
	v4 =	vbroadcast v4, $0x0  }
0x2ad: {  	v8 =	vshll.u32 v3, $0x7  }
0x2ae: {  	v4 =	vor.u32 v8, v4;
	_ =	sdelay $0x1  }
0x2af: {  	s28 =	simm.s32 $0x1  }
0x2b0: {  	v5 =	vmov s28  }
0x2b1: {  	v5 =	vand.u32 $0x7F, v5  }
0x2b2: {  	v5 =	vbroadcast v5, $0x0;
	v14 =	vld.idx.msk [tilespmem:v4+s19+$0x0], $0xffff;
	_ =	sdelay $0x1  }
0x2b3: {  	v6 =	vor.u32 v8, v5;
	_ =	sdelay $0x1  }
0x2b4: {  	s28 =	simm.s32 $0x2  }
0x2b5: {  	v7 =	vmov s28;
	v5 =	vmin.f32 v14, $1.000000000e+01  }
0x2b6: {  	v9 =	vsub.f32 v5, v1;
	v5 =	vand.u32 $0x7F, v7  }
0x2b7: {  	v7 =	vbroadcast v5, $0x0;
	v5 =	vld.idx.msk [tilespmem:v6+s19+$0x0], $0xffff  }
0x2b8: {  	v9 =	vmul.f32 v9, v9  }
0x2b9: {  	v12 =	vor.u32 v8, v7  }
0x2ba: {  	v7 =	vsub.f32 $0.0e+00, v9;
	v9 =	vld.idx.msk [tilespmem:v4+s18+$0x0], $0xffff  }
0x2bb: {  	s28 =	simm.s32 $0x3  }
0x2bc: {  	v4 =	vmul.f32 v7, v2;
	v7 =	vmov s28;
	v10 =	vmin.f32 v5, $1.000000000e+01  }
0x2bd: {  	v7 =	vand.u32 $0x7F, v7;
	v10 =	vsub.f32 v10, v1  }
0x2be: {  	v11 =	vmul.f32 $1.442695020e+00, v4;
	v7 =	vbroadcast v7, $0x0;
	v4 =	vld.idx.msk [tilespmem:v12+s19+$0x0], $0xffff  }
0x2bf: {  	v13 =	vmul.f32 v10, v10;
	vm0 =	vgt.s32 v9, $0x0  }
0x2c0: {  	s28 =	simm.s32 $0x4;
	(erf) = vpow2.f32 v11;
	v10 =	vor.u32 v8, v7;
	v11 =	vld.idx.msk [tilespmem:v6+s18+$0x0], $0xffff;
	v6 =	vnsel vm0, $0x0, v9  }
0x2c1: {  	v7 =	vmov s28;
	v9 =	vsub.f32 $0.0e+00, v13;
	v15 =	vmin.u32 v6, $0xFFF  }
0x2c2: {  	v6 =	vand.u32 $0x7F, v7  }
0x2c3: {  	s28 =	simm.s32 $0x5;
	v6 =	vbroadcast v6, $0x0;
	v13 =	vmin.f32 v4, $1.000000000e+01;
	v9 =	vmul.f32 v9, v2  }
0x2c4: {  	v18 =	vmov s28;
	v16 =	vsub.f32 v13, v1  }
0x2c5: {  	v13 =	vor.u32 v8, v6;
	vm0 =	vgt.s32 v11, $0x0;
	v17 =	vmul.f32 $1.442695020e+00, v9;
	v6 =	vld.idx.msk [tilespmem:v10+s19+$0x0], $0xffff  }
0x2c6: {  	v16 =	vmul.f32 v16, v16;
	v11 =	vnsel vm0, $0x0, v11;
	v9 =	vld.idx.msk [tilespmem:v15+s20+$0x0], $0xffff;
	v15 =	vand.u32 $0x7F, v18  }
0x2c7: {  	v12 =	vld.idx.msk [tilespmem:v12+s18+$0x0], $0xffff;
	v11 =	vmin.u32 v11, $0xFFF;
	(erf) = vpow2.f32 v17  }
0x2c8: {  	v7 =	vimm.f32 $0.0e+00;
	v16 =	vsub.f32 $0.0e+00, v16  }
0x2c9: {  	s28 =	simm.s32 $0x6;
	vm0 =	vlt.f32 v14, $9.999899860e+00;
	v14 =	vmov v13;
	v17 =	vbroadcast v15, $0x0;
	v15 =	vpop (erf)  }
.LBB2_33:
0x2ca: {  	p0 =	sne.s32 s28, $0x3F;
	v18 =	vmin.f32 v6, $1.000000000e+01;
	v16 =	vmul.f32 v16, v2;
	v15 =	vnsel vm0, $0x0, v15;
	v19 =	vmovc v4;
	v4 =	vmovc v6  }
0x2cb: {  	v6 =	vld.idx.msk [tilespmem:v13+s19+$0x0], $0xffff;
	v18 =	vsub.f32 v18, v1;
	v15 =	vmul.f32 v15, v9  }
.Ltmp15:
0x2cc: {  	v13 =	vor.u32 v8, v17;
	vm0 =	vgt.s32 v12, $0x0;
	v16 =	vmul.f32 $1.442695020e+00, v16;
	v9 =	vld.idx.msk [tilespmem:v11+s20+$0x0], $0xffff;
	(pc) =	sbr.rel @p0 .LBB2_33-.Ltmp15, $4  }
0x2cd: {  	v11 =	vnsel vm0, $0x0, v12;
	v17 =	vmul.f32 v18, v18;
	v12 =	vld.idx.msk [tilespmem:v10+s18+$0x0], $0xffff;
	v7 =	vadd.f32 v15, v7;
	v10 =	vmovc v14  }
0x2ce: {  	v20 =	vmov s28;
	v11 =	vmin.u32 v11, $0xFFF;
	v14 =	vmovc v13;
	(erf) = vpow2.f32 v16  }
0x2cf: {  	v18 =	vand.u32 $0x7F, v20;
	v16 =	vsub.f32 $0.0e+00, v17  }
0x2d0: {  	s28 =	sadd.s32 $0x1, s28;
	vm0 =	vlt.f32 v5, $9.999899860e+00;
	v5 =	vmov v19;
	v17 =	vbroadcast v18, $0x0;
	v15 =	vpop (erf)  }
0x2d1: {  	_ = 	snop  }
0x2d2: {  	v8 =	vor.u32 v8, v17;
	_ =	sdelay $0x2  }
0x2d3: {  	v13 =	vld.idx.msk [tilespmem:v13+s19+$0x0], $0xffff;
	_ =	sdelay $0x1  }
0x2d4: {  	v42 =	vmin.f32 v6, $1.000000000e+01;
	v18 =	vld.idx.msk [tilespmem:v8+s19+$0x0], $0xffff  }
0x2d5: {  	v17 =	vsub.f32 v42, v1;
	_ =	sdelay $0x1  }
0x2d6: {  	v17 =	vmul.f32 v17, v17;
	v19 =	vmin.f32 v13, $1.000000000e+01  }
0x2d7: {  	v19 =	vsub.f32 v19, v1  }
0x2d8: {  	v17 =	vsub.f32 $0.0e+00, v17;
	v20 =	vmin.f32 v18, $1.000000000e+01  }
0x2d9: {  	v16 =	vmul.f32 v16, v2;
	v10 =	vld.idx.msk [tilespmem:v10+s18+$0x0], $0xffff;
	v19 =	vmul.f32 v19, v19;
	v20 =	vsub.f32 v20, v1  }
0x2da: {  	vm1 =	vgt.s32 v12, $0x0;
	v17 =	vmul.f32 v17, v2  }
0x2db: {  	v14 =	vld.idx.msk [tilespmem:v14+s18+$0x0], $0xffff;
	v16 =	vmul.f32 $1.442695020e+00, v16;
	v19 =	vsub.f32 $0.0e+00, v19;
	v20 =	vmul.f32 v20, v20  }
0x2dc: {  	v12 =	vnsel vm1, $0x0, v12;
	v43 =	vmul.f32 $1.442695020e+00, v17  }
0x2dd: {  	(erf) = vpow2.f32 v16;
	v8 =	vld.idx.msk [tilespmem:v8+s18+$0x0], $0xffff;
	v44 =	vmul.f32 v19, v2;
	v45 =	vsub.f32 $0.0e+00, v20  }
0x2de: {  	v12 =	vmin.u32 v12, $0xFFF;
	vm8 =	vgt.s32 v10, $0x0;
	(erf) = vpow2.f32 v43  }
0x2df: {  	v10 =	vnsel vm8, $0x0, v10;
	v46 =	vmul.f32 $1.442695020e+00, v44;
	v47 =	vmul.f32 v45, v2  }
0x2e0: {  	v15 =	vnsel vm0, $0x0, v15;
	vm9 =	vgt.s32 v14, $0x0;
	v10 =	vmin.u32 v10, $0xFFF  }
0x2e1: {  	v11 =	vld.idx.msk [tilespmem:v11+s20+$0x0], $0xffff;
	v14 =	vnsel vm9, $0x0, v14;
	(erf) = vpow2.f32 v46;
	v48 =	vmul.f32 $1.442695020e+00, v47  }
0x2e2: {  	s28 =	sadd.s32 s11, s25;
	vm11 =	vlt.f32 v5, $9.999899860e+00;
	v14 =	vmin.u32 v14, $0xFFF;
	vm10 =	vgt.s32 v8, $0x0  }
0x2e3: {  	v50 =	vmov s28;
	v49 =	vpop (erf);
	v12 =	vld.idx.msk [tilespmem:v12+s20+$0x0], $0xffff;
	v8 =	vnsel vm10, $0x0, v8;
	(erf) = vpow2.f32 v48  }
0x2e4: {  	v9 =	vmul.f32 v15, v9;
	v15 =	vshrl.u32 v50, $0x7;
	v8 =	vmin.u32 v8, $0xFFF  }
0x2e5: {  	vm12 =	vlt.f32 v4, $9.999899860e+00;
	v52 =	vshll.u32 v15, $0x7;
	v5 =	vnsel vm11, $0x0, v49;
	v51 =	vld.idx.msk [tilespmem:v10+s20+$0x0], $0xffff  }
0x2e6: {  	v7 =	vadd.f32 v9, v7;
	v54 =	vbroadcast v52, $0x0;
	v5 =	vmul.f32 v5, v11;
	v53 =	vpop (erf)  }
0x2e7: {  	v3 =	vand.u32 $0x7F, v3;
	vm13 =	vlt.f32 v6, $9.999899860e+00;
	v56 =	vld.idx.msk [tilespmem:v14+s20+$0x0], $0xffff;
	v55 =	vnsel vm12, $0x0, v53  }
0x2e8: {  	v3 =	vor.u32 v3, v54;
	v5 =	vadd.f32 v5, v7;
	v7 =	vmul.f32 v55, v12;
	v57 =	vpop (erf)  }
0x2e9: {  	v59 =	vld.idx.msk [tilespmem:v8+s20+$0x0], $0xffff;
	v58 =	vnsel vm13, $0x0, v57  }
0x2ea: {  	vm14 =	vlt.f32 v13, $9.999899860e+00;
	v5 =	vadd.f32 v7, v5;
	v4 =	vmul.f32 v58, v51;
	v60 =	vpop (erf)  }
0x2eb: {  	v7 =	vnsel vm14, $0x0, v60  }
0x2ec: {  	vm15 =	vlt.f32 v18, $9.999899860e+00;
	v4 =	vadd.f32 v4, v5;
	v61 =	vmul.f32 v7, v56;
	v62 =	vpop (erf)  }
0x2ed: {  	v3 =	vld.idx.msk [tilespmem:v3+s20+$0x0], $0xffff;
	v7 =	vnsel vm15, $0x0, v62  }
0x2ee: {  	s24 =	sadd.s32 $0x1, s24;
	v4 =	vadd.f32 v61, v4;
	v63 =	vmul.f32 v7, v59  }
0x2ef: {  	p0 =	sne.s32 s24, $0x10  }
.Ltmp16:
0x2f0: {  	v4 =	vadd.f32 v63, v4;
	(pc) =	sbr.rel @p0 .LBB2_32-.Ltmp16, $3  }
0x2f1: {  	_ = 	snop  }
0x2f2: {  	v3 =	vmul.f32 v3, v4;
	_ =	sdelay $0x1  }
0x2f3: {  	[tilespmem:s25+$0x12100] =	vst v3  }
0x2f4: {  	s22 =	sadd.s32 $0x1, s22  }
0x2f5: {  	p0 =	sne.s32 s22, s14  }
.Ltmp17:
0x2f6: {  	_ = 	snop;
	(pc) =	sbr.rel @p0 .LBB2_1-.Ltmp17, $4  }
0x2f7: {  	[hbm4b:s5+s16] =	stream.strided.scatter [tilespmem:s21], [sflag:$0x1], $0x100, s17, s16, $0x38;
	[tilespmem:$0x12200] =	vst v63  }
0x2f8: {  	_ =	swait.ge [sflag:s15], $0x100  }
0x2f9: {  	[sflag:s15] =	ssyncset.done $0x0  }
0x2fa: {  	[sflag:s15] =	ssyncadd.s32 $0xFFFFFF00  }
0x2fb: {  	_ =	sfence.sel $0x180000  }
0x2fc: {  	[bflag:$0x0] =	sbarrier.arrive $0xFFFF  }
0x2fd: {  	_ =	strace $0x90000047  }
0x2fe: {  	s0 =	stileid.u32;
	[bflag:$0x2] =	sbarrier.arrive $0xFFFF  }
0x2ff: {  	p0 =	sne.s32 s0, $0x0;
	s0 =	rddreg [dreg:$0x3]  }
0x300: {  	s0 =	sadd.s32 @!p0 $0x100000, s0  }
0x301: {  	[sflag:s0] =	ssyncadd.tile.s32 @!p0 $0x1;
	_ =	shalt  }
.Lfunc_end2:
_tile_overlayer_lowered:
.L_overlay_start_2:
0x302: {  	(tag) =	ssettag $0x2  }
0x303: {  	s0 =	rddreg [dreg:$0x0];
	s2 =	stileid.u32  }
0x304: {  	s1 =	rddreg [dreg:$0x1];
	p0 =	sne.s32 s2, $0x0  }
0x305: {  	s3 =	rddreg [dreg:$0x2];
	[bflag:$0x3] =	sbarrier.arrive $0xFFFF;
	s2 =	simm.s32 @!p0 $0x1C01  }
0x306: {  	[timem:s3], [sflag:s2] =	dma.local @!p0 [hbm:s0], s1  }
0x307: {  	s0 =	simm.s32 @!p0 $0x1  }
0x308: {  	_ =	swait.ge @!p0 [sflag:s0], s1  }
0x309: {  	s1 =	ssub.s32 @!p0 $0x0, s1;
	[sflag:s0] =	ssyncset.done @!p0 $0x0  }
0x30a: {  	[sflag:s0] =	ssyncadd.s32 @!p0 s1  }
0x30b: {  	[bflag:$0x3] =	sbarrier.arrive $0xFFFF  }
0x30c: {  	_ =	shalt  }

</sc_bundles>
